<compile_context>
chip_gen: v7x
topology: tpu7x:2x2x1
jax: 0.10.2.dev20260603
libtpu: 0.0.44.dev20260713+nightly
codegen_flags: <defaults>
</compile_context>

<pallas_src>
import functools

import jax
import jax.numpy as jnp
from jax import lax
from jax.experimental import pallas as pl
from jax.experimental.pallas import tpu as pltpu
from jax.experimental.pallas import tpu_sc as plsc

B, L, D = 4096, 50, 64
V_ITEMS, V_RATINGS = 100000, 5
BL = B * L
BL2 = BL // 2
B2 = B // 2

NC, NS = 2, 16
NW = NC * NS
CHUNK = 320
NBUF = 4
NSPLIT = 1
BLS = BL // NSPLIT
B_PER_W = BLS // NW
NCHUNK = B_PER_W // CHUNK


def _sc_gather(table, idx_flat):
    mesh = plsc.VectorSubcoreMesh(core_axis_name="c", subcore_axis_name="s")

    @functools.partial(
        pl.kernel,
        mesh=mesh,
        compiler_params=pltpu.CompilerParams(use_tc_tiling_on_sc=False),
        out_type=jax.ShapeDtypeStruct((BLS, D), jnp.float32),
        scratch_types=(
            [pltpu.VMEM((B_PER_W,), jnp.int32)]
            + [pltpu.VMEM((CHUNK, D), jnp.float32) for _ in range(NBUF)]
            + [pltpu.SemaphoreType.DMA for _ in range(2 * NBUF)]
        ),
    )
    def k(table_hbm, idx_hbm, out_hbm, idx_v, *bufs_sems):
        bufs = bufs_sems[:NBUF]
        sems = bufs_sems[NBUF:2 * NBUF]
        osems = bufs_sems[2 * NBUF:]
        wid = lax.axis_index("s") * NC + lax.axis_index("c")
        base = wid * B_PER_W
        pltpu.sync_copy(idx_hbm.at[pl.ds(base, B_PER_W)], idx_v)

        def gather(j):
            return pltpu.async_copy(
                table_hbm.at[idx_v.at[pl.ds(j * CHUNK, CHUNK)]],
                bufs[j % NBUF], sems[j % NBUF])

        copies = [None] * NCHUNK
        ocopies = [None] * NCHUNK
        for j in range(NBUF - 1):
            copies[j] = gather(j)
        for j in range(NCHUNK):
            jn = j + NBUF - 1
            if jn < NCHUNK:
                if j >= 1:
                    ocopies[j - 1].wait()
                copies[jn] = gather(jn)
            copies[j].wait()
            ocopies[j] = pltpu.async_copy(
                bufs[j % NBUF], out_hbm.at[pl.ds(base + j * CHUNK, CHUNK)],
                osems[j % NBUF])
        for j in range(max(0, NCHUNK - NBUF), NCHUNK):
            if ocopies[j] is not None:
                ocopies[j].wait()

    return k(table, idx_flat)


KL = 10
NSTEP = (L // NSPLIT) // KL


def _tc_mlp(g2, r16, prev, r2e_pad, w1a2, w1b, b1r, w2d, b2d, do_scale):

    def body(g_ref, r_ref, prev_ref, r2e_ref, w1a_ref, w1b_ref, b1_ref,
             w2_ref, b2_ref, out_ref):
        li = pl.program_id(0)
        rtab = jnp.dot(r2e_ref[...], w1b_ref[...],
                       preferred_element_type=jnp.float32) + b1_ref[...]
        z8 = jnp.zeros((8, D), jnp.float32)
        rtab16 = jnp.concatenate(
            [jnp.concatenate([rtab, z8], axis=1),
             jnp.concatenate([z8, rtab], axis=1)], axis=0)
        ohT = (r_ref[...] == lax.broadcasted_iota(
            jnp.int32, (16, KL * B2), 0)).astype(jnp.float32)
        radd = lax.dot_general(ohT, rtab16, (((0,), (0,)), ((), ())),
                               preferred_element_type=jnp.float32)
        h1 = jnp.maximum(
            jnp.dot(g_ref[...], w1a_ref[...],
                    preferred_element_type=jnp.float32) + radd, 0.0)
        h2 = jnp.maximum(
            jnp.dot(h1, w2_ref[...],
                    preferred_element_type=jnp.float32) + b2_ref[...], 0.0)
        part = h2[0:B2, :]
        for kk in range(1, KL):
            part = part + h2[kk * B2:(kk + 1) * B2, :]

        @pl.when(li == 0)
        def _init():
            out_ref[...] = prev_ref[...]

        out_ref[...] += part

        if do_scale:
            @pl.when(li == NSTEP - 1)
            def _scale():
                out_ref[...] *= (1.0 / L)

    return pl.pallas_call(
        body,
        grid=(NSTEP,),
        in_specs=[
            pl.BlockSpec((KL * B2, 2 * D), lambda l: (l, 0)),
            pl.BlockSpec((16, KL * B2), lambda l: (0, l)),
            pl.BlockSpec((B2, 2 * D), lambda l: (0, 0)),
            pl.BlockSpec((8, D), lambda l: (0, 0)),
            pl.BlockSpec((2 * D, 2 * D), lambda l: (0, 0)),
            pl.BlockSpec((D, D), lambda l: (0, 0)),
            pl.BlockSpec((1, D), lambda l: (0, 0)),
            pl.BlockSpec((2 * D, 2 * D), lambda l: (0, 0)),
            pl.BlockSpec((1, 2 * D), lambda l: (0, 0)),
        ],
        out_specs=pl.BlockSpec((B2, 2 * D), lambda l: (0, 0)),
        out_shape=jax.ShapeDtypeStruct((B2, 2 * D), jnp.float32),
        compiler_params=pltpu.CompilerParams(
            dimension_semantics=("arbitrary",)),
    )(g2, r16, prev, r2e_pad, w1a2, w1b, b1r, w2d, b2d)


def _blockdiag2(w):
    z = jnp.zeros_like(w)
    return jnp.concatenate(
        [jnp.concatenate([w, z], axis=1),
         jnp.concatenate([z, w], axis=1)], axis=0)


def kernel(history_uv, history_r, v2e_w, r2e_w, W1, b1, W2, b2):
    idx_flat = history_uv.T.reshape(-1).astype(jnp.int32)
    rp = history_r.T.reshape(BL2, 2).astype(jnp.int32)
    r16 = jnp.concatenate(
        [jnp.broadcast_to(rp[None, :, 0], (8, BL2)),
         jnp.broadcast_to(rp[None, :, 1], (8, BL2)) + 8], axis=0)
    w1a2 = _blockdiag2(W1[:, :D].T)
    w1bT = W1[:, D:].T
    w2d = _blockdiag2(W2.T)
    r2e_pad = jnp.concatenate(
        [r2e_w[4:5], r2e_w[:4], jnp.zeros((3, D), jnp.float32)], axis=0)
    b1r = b1.reshape(1, D)
    b2d = jnp.concatenate([b2, b2]).reshape(1, 2 * D)
    BLS2 = BLS // 2
    acc = jnp.zeros((B2, 2 * D), jnp.float32)
    for s in range(NSPLIT):
        g2 = _sc_gather(
            v2e_w, lax.dynamic_slice_in_dim(idx_flat, s * BLS, BLS)
        ).reshape(BLS2, 2 * D)
        r16s = lax.dynamic_slice_in_dim(r16, s * BLS2, BLS2, axis=1)
        acc = _tc_mlp(g2, r16s, acc, r2e_pad, w1a2, w1bT, b1r, w2d, b2d,
                      do_scale=(s == NSPLIT - 1))
    return acc.reshape(B, D)

# --- scband reference (transcript-rebuilt; emitter-appended) ---
"""Pipeline reference for scband-uv-aggregator-13168369729713 (READ-ONLY COPY).

The authoritative reference and input builder live on the scoring server;
editing this copy changes nothing except your own understanding.
"""

import jax, jax.numpy as jnp
import numpy as np

B, L, D = 4096, 50, 64
V_ITEMS, V_RATINGS = 100000, 5


def setup_inputs(seed: int = 0) -> dict:
    key = jax.random.key(seed)
    ks = jax.random.split(key, 8)
    history_uv = jax.random.randint(ks[0], (B, L), 0, V_ITEMS)
    history_r = jax.random.randint(ks[1], (B, L), 0, V_RATINGS)
    v2e_w = jax.random.normal(ks[2], (V_ITEMS, D), dtype=jnp.float32)
    r2e_w = jax.random.normal(ks[3], (V_RATINGS, D), dtype=jnp.float32)
    s1 = 1.0 / np.sqrt(2 * D)
    W1 = jax.random.uniform(ks[4], (D, 2 * D), minval=-s1, maxval=s1, dtype=jnp.float32)
    b1 = jax.random.uniform(ks[5], (D,), minval=-s1, maxval=s1, dtype=jnp.float32)
    s2 = 1.0 / np.sqrt(D)
    W2 = jax.random.uniform(ks[6], (D, D), minval=-s2, maxval=s2, dtype=jnp.float32)
    b2 = jax.random.uniform(ks[7], (D,), minval=-s2, maxval=s2, dtype=jnp.float32)
    return {"history_uv": history_uv, "history_r": history_r,
            "v2e_w": v2e_w, "r2e_w": r2e_w,
            "W1": W1, "b1": b1, "W2": W2, "b2": b2}


def reference(history_uv, history_r, v2e_w, r2e_w, W1, b1, W2, b2):
    # Vectorized translation of UV_Aggregator.forward (uv=True):
    # per user i: gather item embeds, gather rating embeds (label - 1),
    # concat, relu(Linear 2D->D), relu(Linear D->D), mean over history.
    e_uv = jnp.take(v2e_w, history_uv, axis=0)            # [B, L, D]
    r_idx = history_r - 1
    # torch wraps negative indices; replicate explicitly
    r_idx = jnp.where(r_idx < 0, r_idx + V_RATINGS, r_idx)
    e_r = jnp.take(r2e_w, r_idx, axis=0)                  # [B, L, D]
    x = jnp.concatenate([e_uv, e_r], axis=-1)             # [B, L, 2D]
    x = jax.nn.relu(jnp.einsum('bld,od->blo', x, W1) + b1)
    o = jax.nn.relu(jnp.einsum('bld,od->blo', x, W2) + b2)
    to_feats = jnp.mean(o, axis=1)                        # [B, D]
    return to_feats

if __name__ == "__main__":
    import jax
    _d = setup_inputs()
    print(jax.jit(kernel)(*tuple(_d.values())))

</pallas_src>

<mosaic_0001>
#map = affine_map<(d0, d1) -> (0, 0)>
#map1 = affine_map<(d0, d1) -> (0)>
module attributes {stable_mosaic.version = 14 : i64} {
  func.func @k(%arg0: i32, %arg1: i32, %arg2: memref<100000x64xf32, #tpu.memory_space<hbm>>, %arg3: memref<204800xi32, #tpu.memory_space<hbm>>, %arg4: memref<204800x64xf32, #tpu.memory_space<hbm>>, %arg5: memref<6400xi32, #tpu.memory_space<vmem>>, %arg6: memref<320x64xf32, #tpu.memory_space<vmem>>, %arg7: memref<320x64xf32, #tpu.memory_space<vmem>>, %arg8: memref<320x64xf32, #tpu.memory_space<vmem>>, %arg9: memref<320x64xf32, #tpu.memory_space<vmem>>, %arg10: memref<!tpu.dma_semaphore, #tpu.memory_space<semaphore_mem>>, %arg11: memref<!tpu.dma_semaphore, #tpu.memory_space<semaphore_mem>>, %arg12: memref<!tpu.dma_semaphore, #tpu.memory_space<semaphore_mem>>, %arg13: memref<!tpu.dma_semaphore, #tpu.memory_space<semaphore_mem>>, %arg14: memref<!tpu.dma_semaphore, #tpu.memory_space<semaphore_mem>>, %arg15: memref<!tpu.dma_semaphore, #tpu.memory_space<semaphore_mem>>, %arg16: memref<!tpu.dma_semaphore, #tpu.memory_space<semaphore_mem>>, %arg17: memref<!tpu.dma_semaphore, #tpu.memory_space<semaphore_mem>>) attributes {dimension_semantics = [#tpu.dimension_semantics<core_parallel>, #tpu.dimension_semantics<subcore_parallel>], iteration_bounds = array<i64: 2, 16>, scalar_prefetch = 0 : i64, scratch_operands = 13 : i64, tpu.core_type = #tpu.core_type<sc_vector_subcore>, window_params = [{transform_indices = #map}, {transform_indices = #map1}, {transform_indices = #map}]} {
    %mul3A = arith.constant 2 : i32
    %mul3A_0 = arith.muli %arg1, %mul3A : i32
    %add3A = arith.addi %mul3A_0, %arg0 : i32
    %mul3A_1 = arith.constant 6400 : i32
    %mul3A_2 = arith.muli %add3A, %mul3A_1 : i32
    "tpu.region"() ({
      %run_scoped3A = tpu.sem_alloc : memref<!tpu.dma_semaphore, #tpu.memory_space<semaphore_mem>>
      %dma_start3A_401 = tpu.memref_slice %arg3[%mul3A_2] : memref<204800xi32, #tpu.memory_space<hbm>> -> memref<6400xi32, #tpu.memory_space<hbm>>
      %dma_start3A_402 = tpu.memref_slice %arg3[%mul3A_2] : memref<204800xi32, #tpu.memory_space<hbm>> -> memref<6400xi32, #tpu.memory_space<hbm>>
      tpu.enqueue_dma source(%dma_start3A_402 : memref<6400xi32, #tpu.memory_space<hbm>>) target(%arg5 : memref<6400xi32, #tpu.memory_space<vmem>>) target_semaphore(%run_scoped3A : memref<!tpu.dma_semaphore, #tpu.memory_space<semaphore_mem>>)
      %dma_wait3A_403 = tpu.memref_slice %arg3[%mul3A_2] : memref<204800xi32, #tpu.memory_space<hbm>> -> memref<6400xi32, #tpu.memory_space<hbm>>
      %dma_wait3A_404 = tpu.memref_slice %arg3[%mul3A_2] : memref<204800xi32, #tpu.memory_space<hbm>> -> memref<6400xi32, #tpu.memory_space<hbm>>
      tpu.wait_dma2 semaphore(%run_scoped3A : memref<!tpu.dma_semaphore, #tpu.memory_space<semaphore_mem>>) src(%dma_wait3A_404 : memref<6400xi32, #tpu.memory_space<hbm>>) dst(%arg5 : memref<6400xi32, #tpu.memory_space<vmem>>)
      tpu.yield
    }) : () -> ()
    %dma_start3A = arith.constant 0 : i32
    %dma_start3A_3 = tpu.memref_slice %arg5[%dma_start3A] : memref<6400xi32, #tpu.memory_space<vmem>> -> memref<320xi32, #tpu.memory_space<vmem>>
    %dma_start3A_4 = arith.constant 0 : i32
    %dma_start3A_5 = arith.constant 0 : i32
    %dma_start3A_6 = tpu.memref_slice %arg2[%dma_start3A_4, %dma_start3A_5] : memref<100000x64xf32, #tpu.memory_space<hbm>> -> memref<100000x64xf32, #tpu.memory_space<hbm>>
    tpu.enqueue_indirect_dma source(%dma_start3A_6 : memref<100000x64xf32, #tpu.memory_space<hbm>>) target(%arg6 : memref<320x64xf32, #tpu.memory_space<vmem>>) offsets(%dma_start3A_3 : memref<320xi32, #tpu.memory_space<vmem>>) semaphore(%arg10 : memref<!tpu.dma_semaphore, #tpu.memory_space<semaphore_mem>>)
    %dma_start3A_7 = arith.constant 320 : i32
    %dma_start3A_8 = tpu.memref_slice %arg5[%dma_start3A_7] : memref<6400xi32, #tpu.memory_space<vmem>> -> memref<320xi32, #tpu.memory_space<vmem>>
    %dma_start3A_9 = arith.constant 0 : i32
    %dma_start3A_10 = arith.constant 0 : i32
    %dma_start3A_11 = tpu.memref_slice %arg2[%dma_start3A_9, %dma_start3A_10] : memref<100000x64xf32, #tpu.memory_space<hbm>> -> memref<100000x64xf32, #tpu.memory_space<hbm>>
    tpu.enqueue_indirect_dma source(%dma_start3A_11 : memref<100000x64xf32, #tpu.memory_space<hbm>>) target(%arg7 : memref<320x64xf32, #tpu.memory_space<vmem>>) offsets(%dma_start3A_8 : memref<320xi32, #tpu.memory_space<vmem>>) semaphore(%arg11 : memref<!tpu.dma_semaphore, #tpu.memory_space<semaphore_mem>>)
    %dma_start3A_12 = arith.constant 640 : i32
    %dma_start3A_13 = tpu.memref_slice %arg5[%dma_start3A_12] : memref<6400xi32, #tpu.memory_space<vmem>> -> memref<320xi32, #tpu.memory_space<vmem>>
    %dma_start3A_14 = arith.constant 0 : i32
    %dma_start3A_15 = arith.constant 0 : i32
    %dma_start3A_16 = tpu.memref_slice %arg2[%dma_start3A_14, %dma_start3A_15] : memref<100000x64xf32, #tpu.memory_space<hbm>> -> memref<100000x64xf32, #tpu.memory_space<hbm>>
    tpu.enqueue_indirect_dma source(%dma_start3A_16 : memref<100000x64xf32, #tpu.memory_space<hbm>>) target(%arg8 : memref<320x64xf32, #tpu.memory_space<vmem>>) offsets(%dma_start3A_13 : memref<320xi32, #tpu.memory_space<vmem>>) semaphore(%arg12 : memref<!tpu.dma_semaphore, #tpu.memory_space<semaphore_mem>>)
    %dma_start3A_17 = arith.constant 960 : i32
    %dma_start3A_18 = tpu.memref_slice %arg5[%dma_start3A_17] : memref<6400xi32, #tpu.memory_space<vmem>> -> memref<320xi32, #tpu.memory_space<vmem>>
    %dma_start3A_19 = arith.constant 0 : i32
    %dma_start3A_20 = arith.constant 0 : i32
    %dma_start3A_21 = tpu.memref_slice %arg2[%dma_start3A_19, %dma_start3A_20] : memref<100000x64xf32, #tpu.memory_space<hbm>> -> memref<100000x64xf32, #tpu.memory_space<hbm>>
    tpu.enqueue_indirect_dma source(%dma_start3A_21 : memref<100000x64xf32, #tpu.memory_space<hbm>>) target(%arg9 : memref<320x64xf32, #tpu.memory_space<vmem>>) offsets(%dma_start3A_18 : memref<320xi32, #tpu.memory_space<vmem>>) semaphore(%arg13 : memref<!tpu.dma_semaphore, #tpu.memory_space<semaphore_mem>>)
    %dma_wait3A = arith.constant 0 : i32
    %dma_wait3A_22 = tpu.memref_slice %arg5[%dma_wait3A] : memref<6400xi32, #tpu.memory_space<vmem>> -> memref<320xi32, #tpu.memory_space<vmem>>
    %dma_wait3A_23 = arith.constant 0 : i32
    %dma_wait3A_24 = arith.constant 0 : i32
    %dma_wait3A_25 = tpu.memref_slice %arg2[%dma_wait3A_23, %dma_wait3A_24] : memref<100000x64xf32, #tpu.memory_space<hbm>> -> memref<100000x64xf32, #tpu.memory_space<hbm>>
    tpu.wait_indirect_dma semaphore(%arg10 : memref<!tpu.dma_semaphore, #tpu.memory_space<semaphore_mem>>) src(%dma_wait3A_25 : memref<100000x64xf32, #tpu.memory_space<hbm>>) dst(%arg6 : memref<320x64xf32, #tpu.memory_space<vmem>>)
    %add3A_26 = arith.constant 0 : i32
    %add3A_27 = arith.addi %mul3A_2, %add3A_26 : i32
    %dma_start3A_28 = arith.constant 0 : i32
    %dma_start3A_29 = tpu.memref_slice %arg4[%add3A_27, %dma_start3A_28] : memref<204800x64xf32, #tpu.memory_space<hbm>> -> memref<320x64xf32, #tpu.memory_space<hbm>>
    %dma_start3A_30 = arith.constant 0 : i32
    %dma_start3A_31 = tpu.memref_slice %arg4[%add3A_27, %dma_start3A_30] : memref<204800x64xf32, #tpu.memory_space<hbm>> -> memref<320x64xf32, #tpu.memory_space<hbm>>
    tpu.enqueue_dma source(%arg6 : memref<320x64xf32, #tpu.memory_space<vmem>>) target(%dma_start3A_31 : memref<320x64xf32, #tpu.memory_space<hbm>>) target_semaphore(%arg14 : memref<!tpu.dma_semaphore, #tpu.memory_space<semaphore_mem>>)
    %dma_wait3A_32 = arith.constant 0 : i32
    %dma_wait3A_33 = tpu.memref_slice %arg4[%add3A_27, %dma_wait3A_32] : memref<204800x64xf32, #tpu.memory_space<hbm>> -> memref<320x64xf32, #tpu.memory_space<hbm>>
    %dma_wait3A_34 = arith.constant 0 : i32
    %dma_wait3A_35 = tpu.memref_slice %arg4[%add3A_27, %dma_wait3A_34] : memref<204800x64xf32, #tpu.memory_space<hbm>> -> memref<320x64xf32, #tpu.memory_space<hbm>>
    tpu.wait_dma2 semaphore(%arg14 : memref<!tpu.dma_semaphore, #tpu.memory_space<semaphore_mem>>) src(%arg6 : memref<320x64xf32, #tpu.memory_space<vmem>>) dst(%dma_wait3A_35 : memref<320x64xf32, #tpu.memory_space<hbm>>)
    %dma_start3A_36 = arith.constant 1280 : i32
    %dma_start3A_37 = tpu.memref_slice %arg5[%dma_start3A_36] : memref<6400xi32, #tpu.memory_space<vmem>> -> memref<320xi32, #tpu.memory_space<vmem>>
    %dma_start3A_38 = arith.constant 0 : i32
    %dma_start3A_39 = arith.constant 0 : i32
    %dma_start3A_40 = tpu.memref_slice %arg2[%dma_start3A_38, %dma_start3A_39] : memref<100000x64xf32, #tpu.memory_space<hbm>> -> memref<100000x64xf32, #tpu.memory_space<hbm>>
    tpu.enqueue_indirect_dma source(%dma_start3A_40 : memref<100000x64xf32, #tpu.memory_space<hbm>>) target(%arg6 : memref<320x64xf32, #tpu.memory_space<vmem>>) offsets(%dma_start3A_37 : memref<320xi32, #tpu.memory_space<vmem>>) semaphore(%arg10 : memref<!tpu.dma_semaphore, #tpu.memory_space<semaphore_mem>>)
    %dma_wait3A_41 = arith.constant 320 : i32
    %dma_wait3A_42 = tpu.memref_slice %arg5[%dma_wait3A_41] : memref<6400xi32, #tpu.memory_space<vmem>> -> memref<320xi32, #tpu.memory_space<vmem>>
    %dma_wait3A_43 = arith.constant 0 : i32
    %dma_wait3A_44 = arith.constant 0 : i32
    %dma_wait3A_45 = tpu.memref_slice %arg2[%dma_wait3A_43, %dma_wait3A_44] : memref<100000x64xf32, #tpu.memory_space<hbm>> -> memref<100000x64xf32, #tpu.memory_space<hbm>>
    tpu.wait_indirect_dma semaphore(%arg11 : memref<!tpu.dma_semaphore, #tpu.memory_space<semaphore_mem>>) src(%dma_wait3A_45 : memref<100000x64xf32, #tpu.memory_space<hbm>>) dst(%arg7 : memref<320x64xf32, #tpu.memory_space<vmem>>)
    %add3A_46 = arith.constant 320 : i32
    %add3A_47 = arith.addi %mul3A_2, %add3A_46 : i32
    %dma_start3A_48 = arith.constant 0 : i32
    %dma_start3A_49 = tpu.memref_slice %arg4[%add3A_47, %dma_start3A_48] : memref<204800x64xf32, #tpu.memory_space<hbm>> -> memref<320x64xf32, #tpu.memory_space<hbm>>
    %dma_start3A_50 = arith.constant 0 : i32
    %dma_start3A_51 = tpu.memref_slice %arg4[%add3A_47, %dma_start3A_50] : memref<204800x64xf32, #tpu.memory_space<hbm>> -> memref<320x64xf32, #tpu.memory_space<hbm>>
    tpu.enqueue_dma source(%arg7 : memref<320x64xf32, #tpu.memory_space<vmem>>) target(%dma_start3A_51 : memref<320x64xf32, #tpu.memory_space<hbm>>) target_semaphore(%arg15 : memref<!tpu.dma_semaphore, #tpu.memory_space<semaphore_mem>>)
    %dma_wait3A_52 = arith.constant 0 : i32
    %dma_wait3A_53 = tpu.memref_slice %arg4[%add3A_47, %dma_wait3A_52] : memref<204800x64xf32, #tpu.memory_space<hbm>> -> memref<320x64xf32, #tpu.memory_space<hbm>>
    %dma_wait3A_54 = arith.constant 0 : i32
    %dma_wait3A_55 = tpu.memref_slice %arg4[%add3A_47, %dma_wait3A_54] : memref<204800x64xf32, #tpu.memory_space<hbm>> -> memref<320x64xf32, #tpu.memory_space<hbm>>
    tpu.wait_dma2 semaphore(%arg15 : memref<!tpu.dma_semaphore, #tpu.memory_space<semaphore_mem>>) src(%arg7 : memref<320x64xf32, #tpu.memory_space<vmem>>) dst(%dma_wait3A_55 : memref<320x64xf32, #tpu.memory_space<hbm>>)
    %dma_start3A_56 = arith.constant 1600 : i32
    %dma_start3A_57 = tpu.memref_slice %arg5[%dma_start3A_56] : memref<6400xi32, #tpu.memory_space<vmem>> -> memref<320xi32, #tpu.memory_space<vmem>>
    %dma_start3A_58 = arith.constant 0 : i32
    %dma_start3A_59 = arith.constant 0 : i32
    %dma_start3A_60 = tpu.memref_slice %arg2[%dma_start3A_58, %dma_start3A_59] : memref<100000x64xf32, #tpu.memory_space<hbm>> -> memref<100000x64xf32, #tpu.memory_space<hbm>>
    tpu.enqueue_indirect_dma source(%dma_start3A_60 : memref<100000x64xf32, #tpu.memory_space<hbm>>) target(%arg7 : memref<320x64xf32, #tpu.memory_space<vmem>>) offsets(%dma_start3A_57 : memref<320xi32, #tpu.memory_space<vmem>>) semaphore(%arg11 : memref<!tpu.dma_semaphore, #tpu.memory_space<semaphore_mem>>)
    %dma_wait3A_61 = arith.constant 640 : i32
    %dma_wait3A_62 = tpu.memref_slice %arg5[%dma_wait3A_61] : memref<6400xi32, #tpu.memory_space<vmem>> -> memref<320xi32, #tpu.memory_space<vmem>>
    %dma_wait3A_63 = arith.constant 0 : i32
    %dma_wait3A_64 = arith.constant 0 : i32
    %dma_wait3A_65 = tpu.memref_slice %arg2[%dma_wait3A_63, %dma_wait3A_64] : memref<100000x64xf32, #tpu.memory_space<hbm>> -> memref<100000x64xf32, #tpu.memory_space<hbm>>
    tpu.wait_indirect_dma semaphore(%arg12 : memref<!tpu.dma_semaphore, #tpu.memory_space<semaphore_mem>>) src(%dma_wait3A_65 : memref<100000x64xf32, #tpu.memory_space<hbm>>) dst(%arg8 : memref<320x64xf32, #tpu.memory_space<vmem>>)
    %add3A_66 = arith.constant 640 : i32
    %add3A_67 = arith.addi %mul3A_2, %add3A_66 : i32
    %dma_start3A_68 = arith.constant 0 : i32
    %dma_start3A_69 = tpu.memref_slice %arg4[%add3A_67, %dma_start3A_68] : memref<204800x64xf32, #tpu.memory_space<hbm>> -> memref<320x64xf32, #tpu.memory_space<hbm>>
    %dma_start3A_70 = arith.constant 0 : i32
    %dma_start3A_71 = tpu.memref_slice %arg4[%add3A_67, %dma_start3A_70] : memref<204800x64xf32, #tpu.memory_space<hbm>> -> memref<320x64xf32, #tpu.memory_space<hbm>>
    tpu.enqueue_dma source(%arg8 : memref<320x64xf32, #tpu.memory_space<vmem>>) target(%dma_start3A_71 : memref<320x64xf32, #tpu.memory_space<hbm>>) target_semaphore(%arg16 : memref<!tpu.dma_semaphore, #tpu.memory_space<semaphore_mem>>)
    %dma_wait3A_72 = arith.constant 0 : i32
    %dma_wait3A_73 = tpu.memref_slice %arg4[%add3A_67, %dma_wait3A_72] : memref<204800x64xf32, #tpu.memory_space<hbm>> -> memref<320x64xf32, #tpu.memory_space<hbm>>
    %dma_wait3A_74 = arith.constant 0 : i32
    %dma_wait3A_75 = tpu.memref_slice %arg4[%add3A_67, %dma_wait3A_74] : memref<204800x64xf32, #tpu.memory_space<hbm>> -> memref<320x64xf32, #tpu.memory_space<hbm>>
    tpu.wait_dma2 semaphore(%arg16 : memref<!tpu.dma_semaphore, #tpu.memory_space<semaphore_mem>>) src(%arg8 : memref<320x64xf32, #tpu.memory_space<vmem>>) dst(%dma_wait3A_75 : memref<320x64xf32, #tpu.memory_space<hbm>>)
    %dma_start3A_76 = arith.constant 1920 : i32
    %dma_start3A_77 = tpu.memref_slice %arg5[%dma_start3A_76] : memref<6400xi32, #tpu.memory_space<vmem>> -> memref<320xi32, #tpu.memory_space<vmem>>
    %dma_start3A_78 = arith.constant 0 : i32
    %dma_start3A_79 = arith.constant 0 : i32
    %dma_start3A_80 = tpu.memref_slice %arg2[%dma_start3A_78, %dma_start3A_79] : memref<100000x64xf32, #tpu.memory_space<hbm>> -> memref<100000x64xf32, #tpu.memory_space<hbm>>
    tpu.enqueue_indirect_dma source(%dma_start3A_80 : memref<100000x64xf32, #tpu.memory_space<hbm>>) target(%arg8 : memref<320x64xf32, #tpu.memory_space<vmem>>) offsets(%dma_start3A_77 : memref<320xi32, #tpu.memory_space<vmem>>) semaphore(%arg12 : memref<!tpu.dma_semaphore, #tpu.memory_space<semaphore_mem>>)
    %dma_wait3A_81 = arith.constant 960 : i32
    %dma_wait3A_82 = tpu.memref_slice %arg5[%dma_wait3A_81] : memref<6400xi32, #tpu.memory_space<vmem>> -> memref<320xi32, #tpu.memory_space<vmem>>
    %dma_wait3A_83 = arith.constant 0 : i32
    %dma_wait3A_84 = arith.constant 0 : i32
    %dma_wait3A_85 = tpu.memref_slice %arg2[%dma_wait3A_83, %dma_wait3A_84] : memref<100000x64xf32, #tpu.memory_space<hbm>> -> memref<100000x64xf32, #tpu.memory_space<hbm>>
    tpu.wait_indirect_dma semaphore(%arg13 : memref<!tpu.dma_semaphore, #tpu.memory_space<semaphore_mem>>) src(%dma_wait3A_85 : memref<100000x64xf32, #tpu.memory_space<hbm>>) dst(%arg9 : memref<320x64xf32, #tpu.memory_space<vmem>>)
    %add3A_86 = arith.constant 960 : i32
    %add3A_87 = arith.addi %mul3A_2, %add3A_86 : i32
    %dma_start3A_88 = arith.constant 0 : i32
    %dma_start3A_89 = tpu.memref_slice %arg4[%add3A_87, %dma_start3A_88] : memref<204800x64xf32, #tpu.memory_space<hbm>> -> memref<320x64xf32, #tpu.memory_space<hbm>>
    %dma_start3A_90 = arith.constant 0 : i32
    %dma_start3A_91 = tpu.memref_slice %arg4[%add3A_87, %dma_start3A_90] : memref<204800x64xf32, #tpu.memory_space<hbm>> -> memref<320x64xf32, #tpu.memory_space<hbm>>
    tpu.enqueue_dma source(%arg9 : memref<320x64xf32, #tpu.memory_space<vmem>>) target(%dma_start3A_91 : memref<320x64xf32, #tpu.memory_space<hbm>>) target_semaphore(%arg17 : memref<!tpu.dma_semaphore, #tpu.memory_space<semaphore_mem>>)
    %dma_wait3A_92 = arith.constant 0 : i32
    %dma_wait3A_93 = tpu.memref_slice %arg4[%add3A_87, %dma_wait3A_92] : memref<204800x64xf32, #tpu.memory_space<hbm>> -> memref<320x64xf32, #tpu.memory_space<hbm>>
    %dma_wait3A_94 = arith.constant 0 : i32
    %dma_wait3A_95 = tpu.memref_slice %arg4[%add3A_87, %dma_wait3A_94] : memref<204800x64xf32, #tpu.memory_space<hbm>> -> memref<320x64xf32, #tpu.memory_space<hbm>>
    tpu.wait_dma2 semaphore(%arg17 : memref<!tpu.dma_semaphore, #tpu.memory_space<semaphore_mem>>) src(%arg9 : memref<320x64xf32, #tpu.memory_space<vmem>>) dst(%dma_wait3A_95 : memref<320x64xf32, #tpu.memory_space<hbm>>)
    %dma_start3A_96 = arith.constant 2240 : i32
    %dma_start3A_97 = tpu.memref_slice %arg5[%dma_start3A_96] : memref<6400xi32, #tpu.memory_space<vmem>> -> memref<320xi32, #tpu.memory_space<vmem>>
    %dma_start3A_98 = arith.constant 0 : i32
    %dma_start3A_99 = arith.constant 0 : i32
    %dma_start3A_100 = tpu.memref_slice %arg2[%dma_start3A_98, %dma_start3A_99] : memref<100000x64xf32, #tpu.memory_space<hbm>> -> memref<100000x64xf32, #tpu.memory_space<hbm>>
    tpu.enqueue_indirect_dma source(%dma_start3A_100 : memref<100000x64xf32, #tpu.memory_space<hbm>>) target(%arg9 : memref<320x64xf32, #tpu.memory_space<vmem>>) offsets(%dma_start3A_97 : memref<320xi32, #tpu.memory_space<vmem>>) semaphore(%arg13 : memref<!tpu.dma_semaphore, #tpu.memory_space<semaphore_mem>>)
    %dma_wait3A_101 = arith.constant 1280 : i32
    %dma_wait3A_102 = tpu.memref_slice %arg5[%dma_wait3A_101] : memref<6400xi32, #tpu.memory_space<vmem>> -> memref<320xi32, #tpu.memory_space<vmem>>
    %dma_wait3A_103 = arith.constant 0 : i32
    %dma_wait3A_104 = arith.constant 0 : i32
    %dma_wait3A_105 = tpu.memref_slice %arg2[%dma_wait3A_103, %dma_wait3A_104] : memref<100000x64xf32, #tpu.memory_space<hbm>> -> memref<100000x64xf32, #tpu.memory_space<hbm>>
    tpu.wait_indirect_dma semaphore(%arg10 : memref<!tpu.dma_semaphore, #tpu.memory_space<semaphore_mem>>) src(%dma_wait3A_105 : memref<100000x64xf32, #tpu.memory_space<hbm>>) dst(%arg6 : memref<320x64xf32, #tpu.memory_space<vmem>>)
    %add3A_106 = arith.constant 1280 : i32
    %add3A_107 = arith.addi %mul3A_2, %add3A_106 : i32
    %dma_start3A_108 = arith.constant 0 : i32
    %dma_start3A_109 = tpu.memref_slice %arg4[%add3A_107, %dma_start3A_108] : memref<204800x64xf32, #tpu.memory_space<hbm>> -> memref<320x64xf32, #tpu.memory_space<hbm>>
    %dma_start3A_110 = arith.constant 0 : i32
    %dma_start3A_111 = tpu.memref_slice %arg4[%add3A_107, %dma_start3A_110] : memref<204800x64xf32, #tpu.memory_space<hbm>> -> memref<320x64xf32, #tpu.memory_space<hbm>>
    tpu.enqueue_dma source(%arg6 : memref<320x64xf32, #tpu.memory_space<vmem>>) target(%dma_start3A_111 : memref<320x64xf32, #tpu.memory_space<hbm>>) target_semaphore(%arg14 : memref<!tpu.dma_semaphore, #tpu.memory_space<semaphore_mem>>)
    %dma_wait3A_112 = arith.constant 0 : i32
    %dma_wait3A_113 = tpu.memref_slice %arg4[%add3A_107, %dma_wait3A_112] : memref<204800x64xf32, #tpu.memory_space<hbm>> -> memref<320x64xf32, #tpu.memory_space<hbm>>
    %dma_wait3A_114 = arith.constant 0 : i32
    %dma_wait3A_115 = tpu.memref_slice %arg4[%add3A_107, %dma_wait3A_114] : memref<204800x64xf32, #tpu.memory_space<hbm>> -> memref<320x64xf32, #tpu.memory_space<hbm>>
    tpu.wait_dma2 semaphore(%arg14 : memref<!tpu.dma_semaphore, #tpu.memory_space<semaphore_mem>>) src(%arg6 : memref<320x64xf32, #tpu.memory_space<vmem>>) dst(%dma_wait3A_115 : memref<320x64xf32, #tpu.memory_space<hbm>>)
    %dma_start3A_116 = arith.constant 2560 : i32
    %dma_start3A_117 = tpu.memref_slice %arg5[%dma_start3A_116] : memref<6400xi32, #tpu.memory_space<vmem>> -> memref<320xi32, #tpu.memory_space<vmem>>
    %dma_start3A_118 = arith.constant 0 : i32
    %dma_start3A_119 = arith.constant 0 : i32
    %dma_start3A_120 = tpu.memref_slice %arg2[%dma_start3A_118, %dma_start3A_119] : memref<100000x64xf32, #tpu.memory_space<hbm>> -> memref<100000x64xf32, #tpu.memory_space<hbm>>
    tpu.enqueue_indirect_dma source(%dma_start3A_120 : memref<100000x64xf32, #tpu.memory_space<hbm>>) target(%arg6 : memref<320x64xf32, #tpu.memory_space<vmem>>) offsets(%dma_start3A_117 : memref<320xi32, #tpu.memory_space<vmem>>) semaphore(%arg10 : memref<!tpu.dma_semaphore, #tpu.memory_space<semaphore_mem>>)
    %dma_wait3A_121 = arith.constant 1600 : i32
    %dma_wait3A_122 = tpu.memref_slice %arg5[%dma_wait3A_121] : memref<6400xi32, #tpu.memory_space<vmem>> -> memref<320xi32, #tpu.memory_space<vmem>>
    %dma_wait3A_123 = arith.constant 0 : i32
    %dma_wait3A_124 = arith.constant 0 : i32
    %dma_wait3A_125 = tpu.memref_slice %arg2[%dma_wait3A_123, %dma_wait3A_124] : memref<100000x64xf32, #tpu.memory_space<hbm>> -> memref<100000x64xf32, #tpu.memory_space<hbm>>
    tpu.wait_indirect_dma semaphore(%arg11 : memref<!tpu.dma_semaphore, #tpu.memory_space<semaphore_mem>>) src(%dma_wait3A_125 : memref<100000x64xf32, #tpu.memory_space<hbm>>) dst(%arg7 : memref<320x64xf32, #tpu.memory_space<vmem>>)
    %add3A_126 = arith.constant 1600 : i32
    %add3A_127 = arith.addi %mul3A_2, %add3A_126 : i32
    %dma_start3A_128 = arith.constant 0 : i32
    %dma_start3A_129 = tpu.memref_slice %arg4[%add3A_127, %dma_start3A_128] : memref<204800x64xf32, #tpu.memory_space<hbm>> -> memref<320x64xf32, #tpu.memory_space<hbm>>
    %dma_start3A_130 = arith.constant 0 : i32
    %dma_start3A_131 = tpu.memref_slice %arg4[%add3A_127, %dma_start3A_130] : memref<204800x64xf32, #tpu.memory_space<hbm>> -> memref<320x64xf32, #tpu.memory_space<hbm>>
    tpu.enqueue_dma source(%arg7 : memref<320x64xf32, #tpu.memory_space<vmem>>) target(%dma_start3A_131 : memref<320x64xf32, #tpu.memory_space<hbm>>) target_semaphore(%arg15 : memref<!tpu.dma_semaphore, #tpu.memory_space<semaphore_mem>>)
    %dma_wait3A_132 = arith.constant 0 : i32
    %dma_wait3A_133 = tpu.memref_slice %arg4[%add3A_127, %dma_wait3A_132] : memref<204800x64xf32, #tpu.memory_space<hbm>> -> memref<320x64xf32, #tpu.memory_space<hbm>>
    %dma_wait3A_134 = arith.constant 0 : i32
    %dma_wait3A_135 = tpu.memref_slice %arg4[%add3A_127, %dma_wait3A_134] : memref<204800x64xf32, #tpu.memory_space<hbm>> -> memref<320x64xf32, #tpu.memory_space<hbm>>
    tpu.wait_dma2 semaphore(%arg15 : memref<!tpu.dma_semaphore, #tpu.memory_space<semaphore_mem>>) src(%arg7 : memref<320x64xf32, #tpu.memory_space<vmem>>) dst(%dma_wait3A_135 : memref<320x64xf32, #tpu.memory_space<hbm>>)
    %dma_start3A_136 = arith.constant 2880 : i32
    %dma_start3A_137 = tpu.memref_slice %arg5[%dma_start3A_136] : memref<6400xi32, #tpu.memory_space<vmem>> -> memref<320xi32, #tpu.memory_space<vmem>>
    %dma_start3A_138 = arith.constant 0 : i32
    %dma_start3A_139 = arith.constant 0 : i32
    %dma_start3A_140 = tpu.memref_slice %arg2[%dma_start3A_138, %dma_start3A_139] : memref<100000x64xf32, #tpu.memory_space<hbm>> -> memref<100000x64xf32, #tpu.memory_space<hbm>>
    tpu.enqueue_indirect_dma source(%dma_start3A_140 : memref<100000x64xf32, #tpu.memory_space<hbm>>) target(%arg7 : memref<320x64xf32, #tpu.memory_space<vmem>>) offsets(%dma_start3A_137 : memref<320xi32, #tpu.memory_space<vmem>>) semaphore(%arg11 : memref<!tpu.dma_semaphore, #tpu.memory_space<semaphore_mem>>)
    %dma_wait3A_141 = arith.constant 1920 : i32
    %dma_wait3A_142 = tpu.memref_slice %arg5[%dma_wait3A_141] : memref<6400xi32, #tpu.memory_space<vmem>> -> memref<320xi32, #tpu.memory_space<vmem>>
    %dma_wait3A_143 = arith.constant 0 : i32
    %dma_wait3A_144 = arith.constant 0 : i32
    %dma_wait3A_145 = tpu.memref_slice %arg2[%dma_wait3A_143, %dma_wait3A_144] : memref<100000x64xf32, #tpu.memory_space<hbm>> -> memref<100000x64xf32, #tpu.memory_space<hbm>>
    tpu.wait_indirect_dma semaphore(%arg12 : memref<!tpu.dma_semaphore, #tpu.memory_space<semaphore_mem>>) src(%dma_wait3A_145 : memref<100000x64xf32, #tpu.memory_space<hbm>>) dst(%arg8 : memref<320x64xf32, #tpu.memory_space<vmem>>)
    %add3A_146 = arith.constant 1920 : i32
    %add3A_147 = arith.addi %mul3A_2, %add3A_146 : i32
    %dma_start3A_148 = arith.constant 0 : i32
    %dma_start3A_149 = tpu.memref_slice %arg4[%add3A_147, %dma_start3A_148] : memref<204800x64xf32, #tpu.memory_space<hbm>> -> memref<320x64xf32, #tpu.memory_space<hbm>>
    %dma_start3A_150 = arith.constant 0 : i32
    %dma_start3A_151 = tpu.memref_slice %arg4[%add3A_147, %dma_start3A_150] : memref<204800x64xf32, #tpu.memory_space<hbm>> -> memref<320x64xf32, #tpu.memory_space<hbm>>
    tpu.enqueue_dma source(%arg8 : memref<320x64xf32, #tpu.memory_space<vmem>>) target(%dma_start3A_151 : memref<320x64xf32, #tpu.memory_space<hbm>>) target_semaphore(%arg16 : memref<!tpu.dma_semaphore, #tpu.memory_space<semaphore_mem>>)
    %dma_wait3A_152 = arith.constant 0 : i32
    %dma_wait3A_153 = tpu.memref_slice %arg4[%add3A_147, %dma_wait3A_152] : memref<204800x64xf32, #tpu.memory_space<hbm>> -> memref<320x64xf32, #tpu.memory_space<hbm>>
    %dma_wait3A_154 = arith.constant 0 : i32
    %dma_wait3A_155 = tpu.memref_slice %arg4[%add3A_147, %dma_wait3A_154] : memref<204800x64xf32, #tpu.memory_space<hbm>> -> memref<320x64xf32, #tpu.memory_space<hbm>>
    tpu.wait_dma2 semaphore(%arg16 : memref<!tpu.dma_semaphore, #tpu.memory_space<semaphore_mem>>) src(%arg8 : memref<320x64xf32, #tpu.memory_space<vmem>>) dst(%dma_wait3A_155 : memref<320x64xf32, #tpu.memory_space<hbm>>)
    %dma_start3A_156 = arith.constant 3200 : i32
    %dma_start3A_157 = tpu.memref_slice %arg5[%dma_start3A_156] : memref<6400xi32, #tpu.memory_space<vmem>> -> memref<320xi32, #tpu.memory_space<vmem>>
    %dma_start3A_158 = arith.constant 0 : i32
    %dma_start3A_159 = arith.constant 0 : i32
    %dma_start3A_160 = tpu.memref_slice %arg2[%dma_start3A_158, %dma_start3A_159] : memref<100000x64xf32, #tpu.memory_space<hbm>> -> memref<100000x64xf32, #tpu.memory_space<hbm>>
    tpu.enqueue_indirect_dma source(%dma_start3A_160 : memref<100000x64xf32, #tpu.memory_space<hbm>>) target(%arg8 : memref<320x64xf32, #tpu.memory_space<vmem>>) offsets(%dma_start3A_157 : memref<320xi32, #tpu.memory_space<vmem>>) semaphore(%arg12 : memref<!tpu.dma_semaphore, #tpu.memory_space<semaphore_mem>>)
    %dma_wait3A_161 = arith.constant 2240 : i32
    %dma_wait3A_162 = tpu.memref_slice %arg5[%dma_wait3A_161] : memref<6400xi32, #tpu.memory_space<vmem>> -> memref<320xi32, #tpu.memory_space<vmem>>
    %dma_wait3A_163 = arith.constant 0 : i32
    %dma_wait3A_164 = arith.constant 0 : i32
    %dma_wait3A_165 = tpu.memref_slice %arg2[%dma_wait3A_163, %dma_wait3A_164] : memref<100000x64xf32, #tpu.memory_space<hbm>> -> memref<100000x64xf32, #tpu.memory_space<hbm>>
    tpu.wait_indirect_dma semaphore(%arg13 : memref<!tpu.dma_semaphore, #tpu.memory_space<semaphore_mem>>) src(%dma_wait3A_165 : memref<100000x64xf32, #tpu.memory_space<hbm>>) dst(%arg9 : memref<320x64xf32, #tpu.memory_space<vmem>>)
    %add3A_166 = arith.constant 2240 : i32
    %add3A_167 = arith.addi %mul3A_2, %add3A_166 : i32
    %dma_start3A_168 = arith.constant 0 : i32
    %dma_start3A_169 = tpu.memref_slice %arg4[%add3A_167, %dma_start3A_168] : memref<204800x64xf32, #tpu.memory_space<hbm>> -> memref<320x64xf32, #tpu.memory_space<hbm>>
    %dma_start3A_170 = arith.constant 0 : i32
    %dma_start3A_171 = tpu.memref_slice %arg4[%add3A_167, %dma_start3A_170] : memref<204800x64xf32, #tpu.memory_space<hbm>> -> memref<320x64xf32, #tpu.memory_space<hbm>>
    tpu.enqueue_dma source(%arg9 : memref<320x64xf32, #tpu.memory_space<vmem>>) target(%dma_start3A_171 : memref<320x64xf32, #tpu.memory_space<hbm>>) target_semaphore(%arg17 : memref<!tpu.dma_semaphore, #tpu.memory_space<semaphore_mem>>)
    %dma_wait3A_172 = arith.constant 0 : i32
    %dma_wait3A_173 = tpu.memref_slice %arg4[%add3A_167, %dma_wait3A_172] : memref<204800x64xf32, #tpu.memory_space<hbm>> -> memref<320x64xf32, #tpu.memory_space<hbm>>
    %dma_wait3A_174 = arith.constant 0 : i32
    %dma_wait3A_175 = tpu.memref_slice %arg4[%add3A_167, %dma_wait3A_174] : memref<204800x64xf32, #tpu.memory_space<hbm>> -> memref<320x64xf32, #tpu.memory_space<hbm>>
    tpu.wait_dma2 semaphore(%arg17 : memref<!tpu.dma_semaphore, #tpu.memory_space<semaphore_mem>>) src(%arg9 : memref<320x64xf32, #tpu.memory_space<vmem>>) dst(%dma_wait3A_175 : memref<320x64xf32, #tpu.memory_space<hbm>>)
    %dma_start3A_176 = arith.constant 3520 : i32
    %dma_start3A_177 = tpu.memref_slice %arg5[%dma_start3A_176] : memref<6400xi32, #tpu.memory_space<vmem>> -> memref<320xi32, #tpu.memory_space<vmem>>
    %dma_start3A_178 = arith.constant 0 : i32
    %dma_start3A_179 = arith.constant 0 : i32
    %dma_start3A_180 = tpu.memref_slice %arg2[%dma_start3A_178, %dma_start3A_179] : memref<100000x64xf32, #tpu.memory_space<hbm>> -> memref<100000x64xf32, #tpu.memory_space<hbm>>
    tpu.enqueue_indirect_dma source(%dma_start3A_180 : memref<100000x64xf32, #tpu.memory_space<hbm>>) target(%arg9 : memref<320x64xf32, #tpu.memory_space<vmem>>) offsets(%dma_start3A_177 : memref<320xi32, #tpu.memory_space<vmem>>) semaphore(%arg13 : memref<!tpu.dma_semaphore, #tpu.memory_space<semaphore_mem>>)
    %dma_wait3A_181 = arith.constant 2560 : i32
    %dma_wait3A_182 = tpu.memref_slice %arg5[%dma_wait3A_181] : memref<6400xi32, #tpu.memory_space<vmem>> -> memref<320xi32, #tpu.memory_space<vmem>>
    %dma_wait3A_183 = arith.constant 0 : i32
    %dma_wait3A_184 = arith.constant 0 : i32
    %dma_wait3A_185 = tpu.memref_slice %arg2[%dma_wait3A_183, %dma_wait3A_184] : memref<100000x64xf32, #tpu.memory_space<hbm>> -> memref<100000x64xf32, #tpu.memory_space<hbm>>
    tpu.wait_indirect_dma semaphore(%arg10 : memref<!tpu.dma_semaphore, #tpu.memory_space<semaphore_mem>>) src(%dma_wait3A_185 : memref<100000x64xf32, #tpu.memory_space<hbm>>) dst(%arg6 : memref<320x64xf32, #tpu.memory_space<vmem>>)
    %add3A_186 = arith.constant 2560 : i32
    %add3A_187 = arith.addi %mul3A_2, %add3A_186 : i32
    %dma_start3A_188 = arith.constant 0 : i32
    %dma_start3A_189 = tpu.memref_slice %arg4[%add3A_187, %dma_start3A_188] : memref<204800x64xf32, #tpu.memory_space<hbm>> -> memref<320x64xf32, #tpu.memory_space<hbm>>
    %dma_start3A_190 = arith.constant 0 : i32
    %dma_start3A_191 = tpu.memref_slice %arg4[%add3A_187, %dma_start3A_190] : memref<204800x64xf32, #tpu.memory_space<hbm>> -> memref<320x64xf32, #tpu.memory_space<hbm>>
    tpu.enqueue_dma source(%arg6 : memref<320x64xf32, #tpu.memory_space<vmem>>) target(%dma_start3A_191 : memref<320x64xf32, #tpu.memory_space<hbm>>) target_semaphore(%arg14 : memref<!tpu.dma_semaphore, #tpu.memory_space<semaphore_mem>>)
    %dma_wait3A_192 = arith.constant 0 : i32
    %dma_wait3A_193 = tpu.memref_slice %arg4[%add3A_187, %dma_wait3A_192] : memref<204800x64xf32, #tpu.memory_space<hbm>> -> memref<320x64xf32, #tpu.memory_space<hbm>>
    %dma_wait3A_194 = arith.constant 0 : i32
    %dma_wait3A_195 = tpu.memref_slice %arg4[%add3A_187, %dma_wait3A_194] : memref<204800x64xf32, #tpu.memory_space<hbm>> -> memref<320x64xf32, #tpu.memory_space<hbm>>
    tpu.wait_dma2 semaphore(%arg14 : memref<!tpu.dma_semaphore, #tpu.memory_space<semaphore_mem>>) src(%arg6 : memref<320x64xf32, #tpu.memory_space<vmem>>) dst(%dma_wait3A_195 : memref<320x64xf32, #tpu.memory_space<hbm>>)
    %dma_start3A_196 = arith.constant 3840 : i32
    %dma_start3A_197 = tpu.memref_slice %arg5[%dma_start3A_196] : memref<6400xi32, #tpu.memory_space<vmem>> -> memref<320xi32, #tpu.memory_space<vmem>>
    %dma_start3A_198 = arith.constant 0 : i32
    %dma_start3A_199 = arith.constant 0 : i32
    %dma_start3A_200 = tpu.memref_slice %arg2[%dma_start3A_198, %dma_start3A_199] : memref<100000x64xf32, #tpu.memory_space<hbm>> -> memref<100000x64xf32, #tpu.memory_space<hbm>>
    tpu.enqueue_indirect_dma source(%dma_start3A_200 : memref<100000x64xf32, #tpu.memory_space<hbm>>) target(%arg6 : memref<320x64xf32, #tpu.memory_space<vmem>>) offsets(%dma_start3A_197 : memref<320xi32, #tpu.memory_space<vmem>>) semaphore(%arg10 : memref<!tpu.dma_semaphore, #tpu.memory_space<semaphore_mem>>)
    %dma_wait3A_201 = arith.constant 2880 : i32
    %dma_wait3A_202 = tpu.memref_slice %arg5[%dma_wait3A_201] : memref<6400xi32, #tpu.memory_space<vmem>> -> memref<320xi32, #tpu.memory_space<vmem>>
    %dma_wait3A_203 = arith.constant 0 : i32
    %dma_wait3A_204 = arith.constant 0 : i32
    %dma_wait3A_205 = tpu.memref_slice %arg2[%dma_wait3A_203, %dma_wait3A_204] : memref<100000x64xf32, #tpu.memory_space<hbm>> -> memref<100000x64xf32, #tpu.memory_space<hbm>>
    tpu.wait_indirect_dma semaphore(%arg11 : memref<!tpu.dma_semaphore, #tpu.memory_space<semaphore_mem>>) src(%dma_wait3A_205 : memref<100000x64xf32, #tpu.memory_space<hbm>>) dst(%arg7 : memref<320x64xf32, #tpu.memory_space<vmem>>)
    %add3A_206 = arith.constant 2880 : i32
    %add3A_207 = arith.addi %mul3A_2, %add3A_206 : i32
    %dma_start3A_208 = arith.constant 0 : i32
    %dma_start3A_209 = tpu.memref_slice %arg4[%add3A_207, %dma_start3A_208] : memref<204800x64xf32, #tpu.memory_space<hbm>> -> memref<320x64xf32, #tpu.memory_space<hbm>>
    %dma_start3A_210 = arith.constant 0 : i32
    %dma_start3A_211 = tpu.memref_slice %arg4[%add3A_207, %dma_start3A_210] : memref<204800x64xf32, #tpu.memory_space<hbm>> -> memref<320x64xf32, #tpu.memory_space<hbm>>
    tpu.enqueue_dma source(%arg7 : memref<320x64xf32, #tpu.memory_space<vmem>>) target(%dma_start3A_211 : memref<320x64xf32, #tpu.memory_space<hbm>>) target_semaphore(%arg15 : memref<!tpu.dma_semaphore, #tpu.memory_space<semaphore_mem>>)
    %dma_wait3A_212 = arith.constant 0 : i32
    %dma_wait3A_213 = tpu.memref_slice %arg4[%add3A_207, %dma_wait3A_212] : memref<204800x64xf32, #tpu.memory_space<hbm>> -> memref<320x64xf32, #tpu.memory_space<hbm>>
    %dma_wait3A_214 = arith.constant 0 : i32
    %dma_wait3A_215 = tpu.memref_slice %arg4[%add3A_207, %dma_wait3A_214] : memref<204800x64xf32, #tpu.memory_space<hbm>> -> memref<320x64xf32, #tpu.memory_space<hbm>>
    tpu.wait_dma2 semaphore(%arg15 : memref<!tpu.dma_semaphore, #tpu.memory_space<semaphore_mem>>) src(%arg7 : memref<320x64xf32, #tpu.memory_space<vmem>>) dst(%dma_wait3A_215 : memref<320x64xf32, #tpu.memory_space<hbm>>)
    %dma_start3A_216 = arith.constant 4160 : i32
    %dma_start3A_217 = tpu.memref_slice %arg5[%dma_start3A_216] : memref<6400xi32, #tpu.memory_space<vmem>> -> memref<320xi32, #tpu.memory_space<vmem>>
    %dma_start3A_218 = arith.constant 0 : i32
    %dma_start3A_219 = arith.constant 0 : i32
    %dma_start3A_220 = tpu.memref_slice %arg2[%dma_start3A_218, %dma_start3A_219] : memref<100000x64xf32, #tpu.memory_space<hbm>> -> memref<100000x64xf32, #tpu.memory_space<hbm>>
    tpu.enqueue_indirect_dma source(%dma_start3A_220 : memref<100000x64xf32, #tpu.memory_space<hbm>>) target(%arg7 : memref<320x64xf32, #tpu.memory_space<vmem>>) offsets(%dma_start3A_217 : memref<320xi32, #tpu.memory_space<vmem>>) semaphore(%arg11 : memref<!tpu.dma_semaphore, #tpu.memory_space<semaphore_mem>>)
    %dma_wait3A_221 = arith.constant 3200 : i32
    %dma_wait3A_222 = tpu.memref_slice %arg5[%dma_wait3A_221] : memref<6400xi32, #tpu.memory_space<vmem>> -> memref<320xi32, #tpu.memory_space<vmem>>
    %dma_wait3A_223 = arith.constant 0 : i32
    %dma_wait3A_224 = arith.constant 0 : i32
    %dma_wait3A_225 = tpu.memref_slice %arg2[%dma_wait3A_223, %dma_wait3A_224] : memref<100000x64xf32, #tpu.memory_space<hbm>> -> memref<100000x64xf32, #tpu.memory_space<hbm>>
    tpu.wait_indirect_dma semaphore(%arg12 : memref<!tpu.dma_semaphore, #tpu.memory_space<semaphore_mem>>) src(%dma_wait3A_225 : memref<100000x64xf32, #tpu.memory_space<hbm>>) dst(%arg8 : memref<320x64xf32, #tpu.memory_space<vmem>>)
    %add3A_226 = arith.constant 3200 : i32
    %add3A_227 = arith.addi %mul3A_2, %add3A_226 : i32
    %dma_start3A_228 = arith.constant 0 : i32
    %dma_start3A_229 = tpu.memref_slice %arg4[%add3A_227, %dma_start3A_228] : memref<204800x64xf32, #tpu.memory_space<hbm>> -> memref<320x64xf32, #tpu.memory_space<hbm>>
    %dma_start3A_230 = arith.constant 0 : i32
    %dma_start3A_231 = tpu.memref_slice %arg4[%add3A_227, %dma_start3A_230] : memref<204800x64xf32, #tpu.memory_space<hbm>> -> memref<320x64xf32, #tpu.memory_space<hbm>>
    tpu.enqueue_dma source(%arg8 : memref<320x64xf32, #tpu.memory_space<vmem>>) target(%dma_start3A_231 : memref<320x64xf32, #tpu.memory_space<hbm>>) target_semaphore(%arg16 : memref<!tpu.dma_semaphore, #tpu.memory_space<semaphore_mem>>)
    %dma_wait3A_232 = arith.constant 0 : i32
    %dma_wait3A_233 = tpu.memref_slice %arg4[%add3A_227, %dma_wait3A_232] : memref<204800x64xf32, #tpu.memory_space<hbm>> -> memref<320x64xf32, #tpu.memory_space<hbm>>
    %dma_wait3A_234 = arith.constant 0 : i32
    %dma_wait3A_235 = tpu.memref_slice %arg4[%add3A_227, %dma_wait3A_234] : memref<204800x64xf32, #tpu.memory_space<hbm>> -> memref<320x64xf32, #tpu.memory_space<hbm>>
    tpu.wait_dma2 semaphore(%arg16 : memref<!tpu.dma_semaphore, #tpu.memory_space<semaphore_mem>>) src(%arg8 : memref<320x64xf32, #tpu.memory_space<vmem>>) dst(%dma_wait3A_235 : memref<320x64xf32, #tpu.memory_space<hbm>>)
    %dma_start3A_236 = arith.constant 4480 : i32
    %dma_start3A_237 = tpu.memref_slice %arg5[%dma_start3A_236] : memref<6400xi32, #tpu.memory_space<vmem>> -> memref<320xi32, #tpu.memory_space<vmem>>
    %dma_start3A_238 = arith.constant 0 : i32
    %dma_start3A_239 = arith.constant 0 : i32
    %dma_start3A_240 = tpu.memref_slice %arg2[%dma_start3A_238, %dma_start3A_239] : memref<100000x64xf32, #tpu.memory_space<hbm>> -> memref<100000x64xf32, #tpu.memory_space<hbm>>
    tpu.enqueue_indirect_dma source(%dma_start3A_240 : memref<100000x64xf32, #tpu.memory_space<hbm>>) target(%arg8 : memref<320x64xf32, #tpu.memory_space<vmem>>) offsets(%dma_start3A_237 : memref<320xi32, #tpu.memory_space<vmem>>) semaphore(%arg12 : memref<!tpu.dma_semaphore, #tpu.memory_space<semaphore_mem>>)
    %dma_wait3A_241 = arith.constant 3520 : i32
    %dma_wait3A_242 = tpu.memref_slice %arg5[%dma_wait3A_241] : memref<6400xi32, #tpu.memory_space<vmem>> -> memref<320xi32, #tpu.memory_space<vmem>>
    %dma_wait3A_243 = arith.constant 0 : i32
    %dma_wait3A_244 = arith.constant 0 : i32
    %dma_wait3A_245 = tpu.memref_slice %arg2[%dma_wait3A_243, %dma_wait3A_244] : memref<100000x64xf32, #tpu.memory_space<hbm>> -> memref<100000x64xf32, #tpu.memory_space<hbm>>
    tpu.wait_indirect_dma semaphore(%arg13 : memref<!tpu.dma_semaphore, #tpu.memory_space<semaphore_mem>>) src(%dma_wait3A_245 : memref<100000x64xf32, #tpu.memory_space<hbm>>) dst(%arg9 : memref<320x64xf32, #tpu.memory_space<vmem>>)
    %add3A_246 = arith.constant 3520 : i32
    %add3A_247 = arith.addi %mul3A_2, %add3A_246 : i32
    %dma_start3A_248 = arith.constant 0 : i32
    %dma_start3A_249 = tpu.memref_slice %arg4[%add3A_247, %dma_start3A_248] : memref<204800x64xf32, #tpu.memory_space<hbm>> -> memref<320x64xf32, #tpu.memory_space<hbm>>
    %dma_start3A_250 = arith.constant 0 : i32
    %dma_start3A_251 = tpu.memref_slice %arg4[%add3A_247, %dma_start3A_250] : memref<204800x64xf32, #tpu.memory_space<hbm>> -> memref<320x64xf32, #tpu.memory_space<hbm>>
    tpu.enqueue_dma source(%arg9 : memref<320x64xf32, #tpu.memory_space<vmem>>) target(%dma_start3A_251 : memref<320x64xf32, #tpu.memory_space<hbm>>) target_semaphore(%arg17 : memref<!tpu.dma_semaphore, #tpu.memory_space<semaphore_mem>>)
    %dma_wait3A_252 = arith.constant 0 : i32
    %dma_wait3A_253 = tpu.memref_slice %arg4[%add3A_247, %dma_wait3A_252] : memref<204800x64xf32, #tpu.memory_space<hbm>> -> memref<320x64xf32, #tpu.memory_space<hbm>>
    %dma_wait3A_254 = arith.constant 0 : i32
    %dma_wait3A_255 = tpu.memref_slice %arg4[%add3A_247, %dma_wait3A_254] : memref<204800x64xf32, #tpu.memory_space<hbm>> -> memref<320x64xf32, #tpu.memory_space<hbm>>
    tpu.wait_dma2 semaphore(%arg17 : memref<!tpu.dma_semaphore, #tpu.memory_space<semaphore_mem>>) src(%arg9 : memref<320x64xf32, #tpu.memory_space<vmem>>) dst(%dma_wait3A_255 : memref<320x64xf32, #tpu.memory_space<hbm>>)
    %dma_start3A_256 = arith.constant 4800 : i32
    %dma_start3A_257 = tpu.memref_slice %arg5[%dma_start3A_256] : memref<6400xi32, #tpu.memory_space<vmem>> -> memref<320xi32, #tpu.memory_space<vmem>>
    %dma_start3A_258 = arith.constant 0 : i32
    %dma_start3A_259 = arith.constant 0 : i32
    %dma_start3A_260 = tpu.memref_slice %arg2[%dma_start3A_258, %dma_start3A_259] : memref<100000x64xf32, #tpu.memory_space<hbm>> -> memref<100000x64xf32, #tpu.memory_space<hbm>>
    tpu.enqueue_indirect_dma source(%dma_start3A_260 : memref<100000x64xf32, #tpu.memory_space<hbm>>) target(%arg9 : memref<320x64xf32, #tpu.memory_space<vmem>>) offsets(%dma_start3A_257 : memref<320xi32, #tpu.memory_space<vmem>>) semaphore(%arg13 : memref<!tpu.dma_semaphore, #tpu.memory_space<semaphore_mem>>)
    %dma_wait3A_261 = arith.constant 3840 : i32
    %dma_wait3A_262 = tpu.memref_slice %arg5[%dma_wait3A_261] : memref<6400xi32, #tpu.memory_space<vmem>> -> memref<320xi32, #tpu.memory_space<vmem>>
    %dma_wait3A_263 = arith.constant 0 : i32
    %dma_wait3A_264 = arith.constant 0 : i32
    %dma_wait3A_265 = tpu.memref_slice %arg2[%dma_wait3A_263, %dma_wait3A_264] : memref<100000x64xf32, #tpu.memory_space<hbm>> -> memref<100000x64xf32, #tpu.memory_space<hbm>>
    tpu.wait_indirect_dma semaphore(%arg10 : memref<!tpu.dma_semaphore, #tpu.memory_space<semaphore_mem>>) src(%dma_wait3A_265 : memref<100000x64xf32, #tpu.memory_space<hbm>>) dst(%arg6 : memref<320x64xf32, #tpu.memory_space<vmem>>)
    %add3A_266 = arith.constant 3840 : i32
    %add3A_267 = arith.addi %mul3A_2, %add3A_266 : i32
    %dma_start3A_268 = arith.constant 0 : i32
    %dma_start3A_269 = tpu.memref_slice %arg4[%add3A_267, %dma_start3A_268] : memref<204800x64xf32, #tpu.memory_space<hbm>> -> memref<320x64xf32, #tpu.memory_space<hbm>>
    %dma_start3A_270 = arith.constant 0 : i32
    %dma_start3A_271 = tpu.memref_slice %arg4[%add3A_267, %dma_start3A_270] : memref<204800x64xf32, #tpu.memory_space<hbm>> -> memref<320x64xf32, #tpu.memory_space<hbm>>
    tpu.enqueue_dma source(%arg6 : memref<320x64xf32, #tpu.memory_space<vmem>>) target(%dma_start3A_271 : memref<320x64xf32, #tpu.memory_space<hbm>>) target_semaphore(%arg14 : memref<!tpu.dma_semaphore, #tpu.memory_space<semaphore_mem>>)
    %dma_wait3A_272 = arith.constant 0 : i32
    %dma_wait3A_273 = tpu.memref_slice %arg4[%add3A_267, %dma_wait3A_272] : memref<204800x64xf32, #tpu.memory_space<hbm>> -> memref<320x64xf32, #tpu.memory_space<hbm>>
    %dma_wait3A_274 = arith.constant 0 : i32
    %dma_wait3A_275 = tpu.memref_slice %arg4[%add3A_267, %dma_wait3A_274] : memref<204800x64xf32, #tpu.memory_space<hbm>> -> memref<320x64xf32, #tpu.memory_space<hbm>>
    tpu.wait_dma2 semaphore(%arg14 : memref<!tpu.dma_semaphore, #tpu.memory_space<semaphore_mem>>) src(%arg6 : memref<320x64xf32, #tpu.memory_space<vmem>>) dst(%dma_wait3A_275 : memref<320x64xf32, #tpu.memory_space<hbm>>)
    %dma_start3A_276 = arith.constant 5120 : i32
    %dma_start3A_277 = tpu.memref_slice %arg5[%dma_start3A_276] : memref<6400xi32, #tpu.memory_space<vmem>> -> memref<320xi32, #tpu.memory_space<vmem>>
    %dma_start3A_278 = arith.constant 0 : i32
    %dma_start3A_279 = arith.constant 0 : i32
    %dma_start3A_280 = tpu.memref_slice %arg2[%dma_start3A_278, %dma_start3A_279] : memref<100000x64xf32, #tpu.memory_space<hbm>> -> memref<100000x64xf32, #tpu.memory_space<hbm>>
    tpu.enqueue_indirect_dma source(%dma_start3A_280 : memref<100000x64xf32, #tpu.memory_space<hbm>>) target(%arg6 : memref<320x64xf32, #tpu.memory_space<vmem>>) offsets(%dma_start3A_277 : memref<320xi32, #tpu.memory_space<vmem>>) semaphore(%arg10 : memref<!tpu.dma_semaphore, #tpu.memory_space<semaphore_mem>>)
    %dma_wait3A_281 = arith.constant 4160 : i32
    %dma_wait3A_282 = tpu.memref_slice %arg5[%dma_wait3A_281] : memref<6400xi32, #tpu.memory_space<vmem>> -> memref<320xi32, #tpu.memory_space<vmem>>
    %dma_wait3A_283 = arith.constant 0 : i32
    %dma_wait3A_284 = arith.constant 0 : i32
    %dma_wait3A_285 = tpu.memref_slice %arg2[%dma_wait3A_283, %dma_wait3A_284] : memref<100000x64xf32, #tpu.memory_space<hbm>> -> memref<100000x64xf32, #tpu.memory_space<hbm>>
    tpu.wait_indirect_dma semaphore(%arg11 : memref<!tpu.dma_semaphore, #tpu.memory_space<semaphore_mem>>) src(%dma_wait3A_285 : memref<100000x64xf32, #tpu.memory_space<hbm>>) dst(%arg7 : memref<320x64xf32, #tpu.memory_space<vmem>>)
    %add3A_286 = arith.constant 4160 : i32
    %add3A_287 = arith.addi %mul3A_2, %add3A_286 : i32
    %dma_start3A_288 = arith.constant 0 : i32
    %dma_start3A_289 = tpu.memref_slice %arg4[%add3A_287, %dma_start3A_288] : memref<204800x64xf32, #tpu.memory_space<hbm>> -> memref<320x64xf32, #tpu.memory_space<hbm>>
    %dma_start3A_290 = arith.constant 0 : i32
    %dma_start3A_291 = tpu.memref_slice %arg4[%add3A_287, %dma_start3A_290] : memref<204800x64xf32, #tpu.memory_space<hbm>> -> memref<320x64xf32, #tpu.memory_space<hbm>>
    tpu.enqueue_dma source(%arg7 : memref<320x64xf32, #tpu.memory_space<vmem>>) target(%dma_start3A_291 : memref<320x64xf32, #tpu.memory_space<hbm>>) target_semaphore(%arg15 : memref<!tpu.dma_semaphore, #tpu.memory_space<semaphore_mem>>)
    %dma_wait3A_292 = arith.constant 0 : i32
    %dma_wait3A_293 = tpu.memref_slice %arg4[%add3A_287, %dma_wait3A_292] : memref<204800x64xf32, #tpu.memory_space<hbm>> -> memref<320x64xf32, #tpu.memory_space<hbm>>
    %dma_wait3A_294 = arith.constant 0 : i32
    %dma_wait3A_295 = tpu.memref_slice %arg4[%add3A_287, %dma_wait3A_294] : memref<204800x64xf32, #tpu.memory_space<hbm>> -> memref<320x64xf32, #tpu.memory_space<hbm>>
    tpu.wait_dma2 semaphore(%arg15 : memref<!tpu.dma_semaphore, #tpu.memory_space<semaphore_mem>>) src(%arg7 : memref<320x64xf32, #tpu.memory_space<vmem>>) dst(%dma_wait3A_295 : memref<320x64xf32, #tpu.memory_space<hbm>>)
    %dma_start3A_296 = arith.constant 5440 : i32
    %dma_start3A_297 = tpu.memref_slice %arg5[%dma_start3A_296] : memref<6400xi32, #tpu.memory_space<vmem>> -> memref<320xi32, #tpu.memory_space<vmem>>
    %dma_start3A_298 = arith.constant 0 : i32
    %dma_start3A_299 = arith.constant 0 : i32
    %dma_start3A_300 = tpu.memref_slice %arg2[%dma_start3A_298, %dma_start3A_299] : memref<100000x64xf32, #tpu.memory_space<hbm>> -> memref<100000x64xf32, #tpu.memory_space<hbm>>
    tpu.enqueue_indirect_dma source(%dma_start3A_300 : memref<100000x64xf32, #tpu.memory_space<hbm>>) target(%arg7 : memref<320x64xf32, #tpu.memory_space<vmem>>) offsets(%dma_start3A_297 : memref<320xi32, #tpu.memory_space<vmem>>) semaphore(%arg11 : memref<!tpu.dma_semaphore, #tpu.memory_space<semaphore_mem>>)
    %dma_wait3A_301 = arith.constant 4480 : i32
    %dma_wait3A_302 = tpu.memref_slice %arg5[%dma_wait3A_301] : memref<6400xi32, #tpu.memory_space<vmem>> -> memref<320xi32, #tpu.memory_space<vmem>>
    %dma_wait3A_303 = arith.constant 0 : i32
    %dma_wait3A_304 = arith.constant 0 : i32
    %dma_wait3A_305 = tpu.memref_slice %arg2[%dma_wait3A_303, %dma_wait3A_304] : memref<100000x64xf32, #tpu.memory_space<hbm>> -> memref<100000x64xf32, #tpu.memory_space<hbm>>
    tpu.wait_indirect_dma semaphore(%arg12 : memref<!tpu.dma_semaphore, #tpu.memory_space<semaphore_mem>>) src(%dma_wait3A_305 : memref<100000x64xf32, #tpu.memory_space<hbm>>) dst(%arg8 : memref<320x64xf32, #tpu.memory_space<vmem>>)
    %add3A_306 = arith.constant 4480 : i32
    %add3A_307 = arith.addi %mul3A_2, %add3A_306 : i32
    %dma_start3A_308 = arith.constant 0 : i32
    %dma_start3A_309 = tpu.memref_slice %arg4[%add3A_307, %dma_start3A_308] : memref<204800x64xf32, #tpu.memory_space<hbm>> -> memref<320x64xf32, #tpu.memory_space<hbm>>
    %dma_start3A_310 = arith.constant 0 : i32
    %dma_start3A_311 = tpu.memref_slice %arg4[%add3A_307, %dma_start3A_310] : memref<204800x64xf32, #tpu.memory_space<hbm>> -> memref<320x64xf32, #tpu.memory_space<hbm>>
    tpu.enqueue_dma source(%arg8 : memref<320x64xf32, #tpu.memory_space<vmem>>) target(%dma_start3A_311 : memref<320x64xf32, #tpu.memory_space<hbm>>) target_semaphore(%arg16 : memref<!tpu.dma_semaphore, #tpu.memory_space<semaphore_mem>>)
    %dma_wait3A_312 = arith.constant 0 : i32
    %dma_wait3A_313 = tpu.memref_slice %arg4[%add3A_307, %dma_wait3A_312] : memref<204800x64xf32, #tpu.memory_space<hbm>> -> memref<320x64xf32, #tpu.memory_space<hbm>>
    %dma_wait3A_314 = arith.constant 0 : i32
    %dma_wait3A_315 = tpu.memref_slice %arg4[%add3A_307, %dma_wait3A_314] : memref<204800x64xf32, #tpu.memory_space<hbm>> -> memref<320x64xf32, #tpu.memory_space<hbm>>
    tpu.wait_dma2 semaphore(%arg16 : memref<!tpu.dma_semaphore, #tpu.memory_space<semaphore_mem>>) src(%arg8 : memref<320x64xf32, #tpu.memory_space<vmem>>) dst(%dma_wait3A_315 : memref<320x64xf32, #tpu.memory_space<hbm>>)
    %dma_start3A_316 = arith.constant 5760 : i32
    %dma_start3A_317 = tpu.memref_slice %arg5[%dma_start3A_316] : memref<6400xi32, #tpu.memory_space<vmem>> -> memref<320xi32, #tpu.memory_space<vmem>>
    %dma_start3A_318 = arith.constant 0 : i32
    %dma_start3A_319 = arith.constant 0 : i32
    %dma_start3A_320 = tpu.memref_slice %arg2[%dma_start3A_318, %dma_start3A_319] : memref<100000x64xf32, #tpu.memory_space<hbm>> -> memref<100000x64xf32, #tpu.memory_space<hbm>>
    tpu.enqueue_indirect_dma source(%dma_start3A_320 : memref<100000x64xf32, #tpu.memory_space<hbm>>) target(%arg8 : memref<320x64xf32, #tpu.memory_space<vmem>>) offsets(%dma_start3A_317 : memref<320xi32, #tpu.memory_space<vmem>>) semaphore(%arg12 : memref<!tpu.dma_semaphore, #tpu.memory_space<semaphore_mem>>)
    %dma_wait3A_321 = arith.constant 4800 : i32
    %dma_wait3A_322 = tpu.memref_slice %arg5[%dma_wait3A_321] : memref<6400xi32, #tpu.memory_space<vmem>> -> memref<320xi32, #tpu.memory_space<vmem>>
    %dma_wait3A_323 = arith.constant 0 : i32
    %dma_wait3A_324 = arith.constant 0 : i32
    %dma_wait3A_325 = tpu.memref_slice %arg2[%dma_wait3A_323, %dma_wait3A_324] : memref<100000x64xf32, #tpu.memory_space<hbm>> -> memref<100000x64xf32, #tpu.memory_space<hbm>>
    tpu.wait_indirect_dma semaphore(%arg13 : memref<!tpu.dma_semaphore, #tpu.memory_space<semaphore_mem>>) src(%dma_wait3A_325 : memref<100000x64xf32, #tpu.memory_space<hbm>>) dst(%arg9 : memref<320x64xf32, #tpu.memory_space<vmem>>)
    %add3A_326 = arith.constant 4800 : i32
    %add3A_327 = arith.addi %mul3A_2, %add3A_326 : i32
    %dma_start3A_328 = arith.constant 0 : i32
    %dma_start3A_329 = tpu.memref_slice %arg4[%add3A_327, %dma_start3A_328] : memref<204800x64xf32, #tpu.memory_space<hbm>> -> memref<320x64xf32, #tpu.memory_space<hbm>>
    %dma_start3A_330 = arith.constant 0 : i32
    %dma_start3A_331 = tpu.memref_slice %arg4[%add3A_327, %dma_start3A_330] : memref<204800x64xf32, #tpu.memory_space<hbm>> -> memref<320x64xf32, #tpu.memory_space<hbm>>
    tpu.enqueue_dma source(%arg9 : memref<320x64xf32, #tpu.memory_space<vmem>>) target(%dma_start3A_331 : memref<320x64xf32, #tpu.memory_space<hbm>>) target_semaphore(%arg17 : memref<!tpu.dma_semaphore, #tpu.memory_space<semaphore_mem>>)
    %dma_wait3A_332 = arith.constant 0 : i32
    %dma_wait3A_333 = tpu.memref_slice %arg4[%add3A_327, %dma_wait3A_332] : memref<204800x64xf32, #tpu.memory_space<hbm>> -> memref<320x64xf32, #tpu.memory_space<hbm>>
    %dma_wait3A_334 = arith.constant 0 : i32
    %dma_wait3A_335 = tpu.memref_slice %arg4[%add3A_327, %dma_wait3A_334] : memref<204800x64xf32, #tpu.memory_space<hbm>> -> memref<320x64xf32, #tpu.memory_space<hbm>>
    tpu.wait_dma2 semaphore(%arg17 : memref<!tpu.dma_semaphore, #tpu.memory_space<semaphore_mem>>) src(%arg9 : memref<320x64xf32, #tpu.memory_space<vmem>>) dst(%dma_wait3A_335 : memref<320x64xf32, #tpu.memory_space<hbm>>)
    %dma_start3A_336 = arith.constant 6080 : i32
    %dma_start3A_337 = tpu.memref_slice %arg5[%dma_start3A_336] : memref<6400xi32, #tpu.memory_space<vmem>> -> memref<320xi32, #tpu.memory_space<vmem>>
    %dma_start3A_338 = arith.constant 0 : i32
    %dma_start3A_339 = arith.constant 0 : i32
    %dma_start3A_340 = tpu.memref_slice %arg2[%dma_start3A_338, %dma_start3A_339] : memref<100000x64xf32, #tpu.memory_space<hbm>> -> memref<100000x64xf32, #tpu.memory_space<hbm>>
    tpu.enqueue_indirect_dma source(%dma_start3A_340 : memref<100000x64xf32, #tpu.memory_space<hbm>>) target(%arg9 : memref<320x64xf32, #tpu.memory_space<vmem>>) offsets(%dma_start3A_337 : memref<320xi32, #tpu.memory_space<vmem>>) semaphore(%arg13 : memref<!tpu.dma_semaphore, #tpu.memory_space<semaphore_mem>>)
    %dma_wait3A_341 = arith.constant 5120 : i32
    %dma_wait3A_342 = tpu.memref_slice %arg5[%dma_wait3A_341] : memref<6400xi32, #tpu.memory_space<vmem>> -> memref<320xi32, #tpu.memory_space<vmem>>
    %dma_wait3A_343 = arith.constant 0 : i32
    %dma_wait3A_344 = arith.constant 0 : i32
    %dma_wait3A_345 = tpu.memref_slice %arg2[%dma_wait3A_343, %dma_wait3A_344] : memref<100000x64xf32, #tpu.memory_space<hbm>> -> memref<100000x64xf32, #tpu.memory_space<hbm>>
    tpu.wait_indirect_dma semaphore(%arg10 : memref<!tpu.dma_semaphore, #tpu.memory_space<semaphore_mem>>) src(%dma_wait3A_345 : memref<100000x64xf32, #tpu.memory_space<hbm>>) dst(%arg6 : memref<320x64xf32, #tpu.memory_space<vmem>>)
    %add3A_346 = arith.constant 5120 : i32
    %add3A_347 = arith.addi %mul3A_2, %add3A_346 : i32
    %dma_start3A_348 = arith.constant 0 : i32
    %dma_start3A_349 = tpu.memref_slice %arg4[%add3A_347, %dma_start3A_348] : memref<204800x64xf32, #tpu.memory_space<hbm>> -> memref<320x64xf32, #tpu.memory_space<hbm>>
    %dma_start3A_350 = arith.constant 0 : i32
    %dma_start3A_351 = tpu.memref_slice %arg4[%add3A_347, %dma_start3A_350] : memref<204800x64xf32, #tpu.memory_space<hbm>> -> memref<320x64xf32, #tpu.memory_space<hbm>>
    tpu.enqueue_dma source(%arg6 : memref<320x64xf32, #tpu.memory_space<vmem>>) target(%dma_start3A_351 : memref<320x64xf32, #tpu.memory_space<hbm>>) target_semaphore(%arg14 : memref<!tpu.dma_semaphore, #tpu.memory_space<semaphore_mem>>)
    %dma_wait3A_352 = arith.constant 5440 : i32
    %dma_wait3A_353 = tpu.memref_slice %arg5[%dma_wait3A_352] : memref<6400xi32, #tpu.memory_space<vmem>> -> memref<320xi32, #tpu.memory_space<vmem>>
    %dma_wait3A_354 = arith.constant 0 : i32
    %dma_wait3A_355 = arith.constant 0 : i32
    %dma_wait3A_356 = tpu.memref_slice %arg2[%dma_wait3A_354, %dma_wait3A_355] : memref<100000x64xf32, #tpu.memory_space<hbm>> -> memref<100000x64xf32, #tpu.memory_space<hbm>>
    tpu.wait_indirect_dma semaphore(%arg11 : memref<!tpu.dma_semaphore, #tpu.memory_space<semaphore_mem>>) src(%dma_wait3A_356 : memref<100000x64xf32, #tpu.memory_space<hbm>>) dst(%arg7 : memref<320x64xf32, #tpu.memory_space<vmem>>)
    %add3A_357 = arith.constant 5440 : i32
    %add3A_358 = arith.addi %mul3A_2, %add3A_357 : i32
    %dma_start3A_359 = arith.constant 0 : i32
    %dma_start3A_360 = tpu.memref_slice %arg4[%add3A_358, %dma_start3A_359] : memref<204800x64xf32, #tpu.memory_space<hbm>> -> memref<320x64xf32, #tpu.memory_space<hbm>>
    %dma_start3A_361 = arith.constant 0 : i32
    %dma_start3A_362 = tpu.memref_slice %arg4[%add3A_358, %dma_start3A_361] : memref<204800x64xf32, #tpu.memory_space<hbm>> -> memref<320x64xf32, #tpu.memory_space<hbm>>
    tpu.enqueue_dma source(%arg7 : memref<320x64xf32, #tpu.memory_space<vmem>>) target(%dma_start3A_362 : memref<320x64xf32, #tpu.memory_space<hbm>>) target_semaphore(%arg15 : memref<!tpu.dma_semaphore, #tpu.memory_space<semaphore_mem>>)
    %dma_wait3A_363 = arith.constant 5760 : i32
    %dma_wait3A_364 = tpu.memref_slice %arg5[%dma_wait3A_363] : memref<6400xi32, #tpu.memory_space<vmem>> -> memref<320xi32, #tpu.memory_space<vmem>>
    %dma_wait3A_365 = arith.constant 0 : i32
    %dma_wait3A_366 = arith.constant 0 : i32
    %dma_wait3A_367 = tpu.memref_slice %arg2[%dma_wait3A_365, %dma_wait3A_366] : memref<100000x64xf32, #tpu.memory_space<hbm>> -> memref<100000x64xf32, #tpu.memory_space<hbm>>
    tpu.wait_indirect_dma semaphore(%arg12 : memref<!tpu.dma_semaphore, #tpu.memory_space<semaphore_mem>>) src(%dma_wait3A_367 : memref<100000x64xf32, #tpu.memory_space<hbm>>) dst(%arg8 : memref<320x64xf32, #tpu.memory_space<vmem>>)
    %add3A_368 = arith.constant 5760 : i32
    %add3A_369 = arith.addi %mul3A_2, %add3A_368 : i32
    %dma_start3A_370 = arith.constant 0 : i32
    %dma_start3A_371 = tpu.memref_slice %arg4[%add3A_369, %dma_start3A_370] : memref<204800x64xf32, #tpu.memory_space<hbm>> -> memref<320x64xf32, #tpu.memory_space<hbm>>
    %dma_start3A_372 = arith.constant 0 : i32
    %dma_start3A_373 = tpu.memref_slice %arg4[%add3A_369, %dma_start3A_372] : memref<204800x64xf32, #tpu.memory_space<hbm>> -> memref<320x64xf32, #tpu.memory_space<hbm>>
    tpu.enqueue_dma source(%arg8 : memref<320x64xf32, #tpu.memory_space<vmem>>) target(%dma_start3A_373 : memref<320x64xf32, #tpu.memory_space<hbm>>) target_semaphore(%arg16 : memref<!tpu.dma_semaphore, #tpu.memory_space<semaphore_mem>>)
    %dma_wait3A_374 = arith.constant 6080 : i32
    %dma_wait3A_375 = tpu.memref_slice %arg5[%dma_wait3A_374] : memref<6400xi32, #tpu.memory_space<vmem>> -> memref<320xi32, #tpu.memory_space<vmem>>
    %dma_wait3A_376 = arith.constant 0 : i32
    %dma_wait3A_377 = arith.constant 0 : i32
    %dma_wait3A_378 = tpu.memref_slice %arg2[%dma_wait3A_376, %dma_wait3A_377] : memref<100000x64xf32, #tpu.memory_space<hbm>> -> memref<100000x64xf32, #tpu.memory_space<hbm>>
    tpu.wait_indirect_dma semaphore(%arg13 : memref<!tpu.dma_semaphore, #tpu.memory_space<semaphore_mem>>) src(%dma_wait3A_378 : memref<100000x64xf32, #tpu.memory_space<hbm>>) dst(%arg9 : memref<320x64xf32, #tpu.memory_space<vmem>>)
    %add3A_379 = arith.constant 6080 : i32
    %add3A_380 = arith.addi %mul3A_2, %add3A_379 : i32
    %dma_start3A_381 = arith.constant 0 : i32
    %dma_start3A_382 = tpu.memref_slice %arg4[%add3A_380, %dma_start3A_381] : memref<204800x64xf32, #tpu.memory_space<hbm>> -> memref<320x64xf32, #tpu.memory_space<hbm>>
    %dma_start3A_383 = arith.constant 0 : i32
    %dma_start3A_384 = tpu.memref_slice %arg4[%add3A_380, %dma_start3A_383] : memref<204800x64xf32, #tpu.memory_space<hbm>> -> memref<320x64xf32, #tpu.memory_space<hbm>>
    tpu.enqueue_dma source(%arg9 : memref<320x64xf32, #tpu.memory_space<vmem>>) target(%dma_start3A_384 : memref<320x64xf32, #tpu.memory_space<hbm>>) target_semaphore(%arg17 : memref<!tpu.dma_semaphore, #tpu.memory_space<semaphore_mem>>)
    %dma_wait3A_385 = arith.constant 0 : i32
    %dma_wait3A_386 = tpu.memref_slice %arg4[%add3A_347, %dma_wait3A_385] : memref<204800x64xf32, #tpu.memory_space<hbm>> -> memref<320x64xf32, #tpu.memory_space<hbm>>
    %dma_wait3A_387 = arith.constant 0 : i32
    %dma_wait3A_388 = tpu.memref_slice %arg4[%add3A_347, %dma_wait3A_387] : memref<204800x64xf32, #tpu.memory_space<hbm>> -> memref<320x64xf32, #tpu.memory_space<hbm>>
    tpu.wait_dma2 semaphore(%arg14 : memref<!tpu.dma_semaphore, #tpu.memory_space<semaphore_mem>>) src(%arg6 : memref<320x64xf32, #tpu.memory_space<vmem>>) dst(%dma_wait3A_388 : memref<320x64xf32, #tpu.memory_space<hbm>>)
    %dma_wait3A_389 = arith.constant 0 : i32
    %dma_wait3A_390 = tpu.memref_slice %arg4[%add3A_358, %dma_wait3A_389] : memref<204800x64xf32, #tpu.memory_space<hbm>> -> memref<320x64xf32, #tpu.memory_space<hbm>>
    %dma_wait3A_391 = arith.constant 0 : i32
    %dma_wait3A_392 = tpu.memref_slice %arg4[%add3A_358, %dma_wait3A_391] : memref<204800x64xf32, #tpu.memory_space<hbm>> -> memref<320x64xf32, #tpu.memory_space<hbm>>
    tpu.wait_dma2 semaphore(%arg15 : memref<!tpu.dma_semaphore, #tpu.memory_space<semaphore_mem>>) src(%arg7 : memref<320x64xf32, #tpu.memory_space<vmem>>) dst(%dma_wait3A_392 : memref<320x64xf32, #tpu.memory_space<hbm>>)
    %dma_wait3A_393 = arith.constant 0 : i32
    %dma_wait3A_394 = tpu.memref_slice %arg4[%add3A_369, %dma_wait3A_393] : memref<204800x64xf32, #tpu.memory_space<hbm>> -> memref<320x64xf32, #tpu.memory_space<hbm>>
    %dma_wait3A_395 = arith.constant 0 : i32
    %dma_wait3A_396 = tpu.memref_slice %arg4[%add3A_369, %dma_wait3A_395] : memref<204800x64xf32, #tpu.memory_space<hbm>> -> memref<320x64xf32, #tpu.memory_space<hbm>>
    tpu.wait_dma2 semaphore(%arg16 : memref<!tpu.dma_semaphore, #tpu.memory_space<semaphore_mem>>) src(%arg8 : memref<320x64xf32, #tpu.memory_space<vmem>>) dst(%dma_wait3A_396 : memref<320x64xf32, #tpu.memory_space<hbm>>)
    %dma_wait3A_397 = arith.constant 0 : i32
    %dma_wait3A_398 = tpu.memref_slice %arg4[%add3A_380, %dma_wait3A_397] : memref<204800x64xf32, #tpu.memory_space<hbm>> -> memref<320x64xf32, #tpu.memory_space<hbm>>
    %dma_wait3A_399 = arith.constant 0 : i32
    %dma_wait3A_400 = tpu.memref_slice %arg4[%add3A_380, %dma_wait3A_399] : memref<204800x64xf32, #tpu.memory_space<hbm>> -> memref<320x64xf32, #tpu.memory_space<hbm>>
    tpu.wait_dma2 semaphore(%arg17 : memref<!tpu.dma_semaphore, #tpu.memory_space<semaphore_mem>>) src(%arg9 : memref<320x64xf32, #tpu.memory_space<vmem>>) dst(%dma_wait3A_400 : memref<320x64xf32, #tpu.memory_space<hbm>>)
    return
  }
}

module attributes {stable_mosaic.version = 14 : i64} {
  func.func @body(%arg0: i32, %arg1: memref<20480x128xf32, #tpu.memory_space<vmem>>, %arg2: memref<16x20480xi32, #tpu.memory_space<vmem>>, %arg3: memref<2048x128xf32, #tpu.memory_space<vmem>>, %arg4: memref<8x64xf32, #tpu.memory_space<vmem>>, %arg5: memref<128x128xf32, #tpu.memory_space<vmem>>, %arg6: memref<64x64xf32, #tpu.memory_space<vmem>>, %arg7: memref<1x64xf32, #tpu.memory_space<vmem>>, %arg8: memref<128x128xf32, #tpu.memory_space<vmem>>, %arg9: memref<1x128xf32, #tpu.memory_space<vmem>>, %arg10: memref<2048x128xf32, #tpu.memory_space<vmem>>) attributes {dimension_semantics = [#tpu.dimension_semantics<arbitrary>], iteration_bounds = array<i64: 5>, scalar_prefetch = 0 : i64, scratch_operands = 0 : i64, tpu.core_type = #tpu.core_type<tc>, window_params = [{transform_indices = @transform_0, window_bounds = array<i64: 20480, 128>}, {transform_indices = @transform_1, window_bounds = array<i64: 16, 20480>}, {pipeline_mode = #tpu.pipeline_mode<synchronous>, transform_indices = @transform_2, window_bounds = array<i64: 2048, 128>}, {pipeline_mode = #tpu.pipeline_mode<synchronous>, transform_indices = @transform_3, window_bounds = array<i64: 8, 64>}, {pipeline_mode = #tpu.pipeline_mode<synchronous>, transform_indices = @transform_4, window_bounds = array<i64: 128, 128>}, {pipeline_mode = #tpu.pipeline_mode<synchronous>, transform_indices = @transform_5, window_bounds = array<i64: 64, 64>}, {pipeline_mode = #tpu.pipeline_mode<synchronous>, transform_indices = @transform_6, window_bounds = array<i64: 1, 64>}, {pipeline_mode = #tpu.pipeline_mode<synchronous>, transform_indices = @transform_7, window_bounds = array<i64: 128, 128>}, {pipeline_mode = #tpu.pipeline_mode<synchronous>, transform_indices = @transform_8, window_bounds = array<i64: 1, 128>}, {pipeline_mode = #tpu.pipeline_mode<synchronous>, transform_indices = @transform_9, window_bounds = array<i64: 2048, 128>}]} {
    %get3A = arith.constant 0 : index
    %get3A_0 = arith.constant 0 : index
    %get3A_1 = vector.load %arg4[%get3A, %get3A_0] : memref<8x64xf32, #tpu.memory_space<vmem>>, vector<8x64xf32>
    %get3A_2 = arith.constant 0 : index
    %get3A_3 = arith.constant 0 : index
    %get3A_4 = vector.load %arg6[%get3A_2, %get3A_3] : memref<64x64xf32, #tpu.memory_space<vmem>>, vector<64x64xf32>
    %dot_general3A = arith.constant dense<0.000000e+00> : vector<8x64xf32>
    %dot_general3A_5 = tpu.matmul %get3A_1, %get3A_4, %dot_general3A {dimension_numbers = #tpu.dot_dimension_numbers<[1], [0], [0], [1], [0, 0, 1, 1], [], []>, transpose_lhs_hint = false} : vector<8x64xf32>, vector<64x64xf32>, vector<8x64xf32> -> vector<8x64xf32>
    %get3A_6 = arith.constant 0 : index
    %get3A_7 = arith.constant 0 : index
    %get3A_8 = vector.load %arg7[%get3A_6, %get3A_7] : memref<1x64xf32, #tpu.memory_space<vmem>>, vector<1x64xf32>
    %add3A = vector.broadcast %get3A_8 : vector<1x64xf32> to vector<8x64xf32>
    %add3A_9 = arith.addf %dot_general3A_5, %add3A : vector<8x64xf32>
    %broadcast_in_dim3A = arith.constant 0.000000e+00 : f32
    %broadcast_in_dim3A_10 = vector.broadcast %broadcast_in_dim3A : f32 to vector<8x64xf32>
    %concatenate3A = tpu.concatenate %add3A_9, %broadcast_in_dim3A_10 in 1 : vector<8x64xf32>, vector<8x64xf32> -> vector<8x128xf32>
    %concatenate3A_11 = tpu.concatenate %broadcast_in_dim3A_10, %add3A_9 in 1 : vector<8x64xf32>, vector<8x64xf32> -> vector<8x128xf32>
    %concatenate3A_12 = tpu.concatenate %concatenate3A, %concatenate3A_11 in 0 : vector<8x128xf32>, vector<8x128xf32> -> vector<16x128xf32>
    %get3A_13 = arith.constant 0 : index
    %get3A_14 = arith.constant 0 : index
    %get3A_15 = vector.load %arg2[%get3A_13, %get3A_14] : memref<16x20480xi32, #tpu.memory_space<vmem>>, vector<16x20480xi32>
    %iota3A = tpu.iota {dimensions = array<i32: 0>} : vector<16x20480xi32>
    %eq3A = arith.cmpi eq, %get3A_15, %iota3A : vector<16x20480xi32>
    %convert_element_type3A = arith.extui %eq3A : vector<16x20480xi1> to vector<16x20480xi32>
    %convert_element_type3A_16 = arith.sitofp %convert_element_type3A : vector<16x20480xi32> to vector<16x20480xf32>
    %dot_general3A_17 = arith.constant dense<0.000000e+00> : vector<20480x128xf32>
    %dot_general3A_18 = tpu.matmul %convert_element_type3A_16, %concatenate3A_12, %dot_general3A_17 {dimension_numbers = #tpu.dot_dimension_numbers<[0], [0], [1], [1], [0, 1, 1, 1], [], []>, transpose_lhs_hint = false} : vector<16x20480xf32>, vector<16x128xf32>, vector<20480x128xf32> -> vector<20480x128xf32>
    %get3A_19 = arith.constant 0 : index
    %get3A_20 = arith.constant 0 : index
    %get3A_21 = vector.load %arg1[%get3A_19, %get3A_20] : memref<20480x128xf32, #tpu.memory_space<vmem>>, vector<20480x128xf32>
    %get3A_22 = arith.constant 0 : index
    %get3A_23 = arith.constant 0 : index
    %get3A_24 = vector.load %arg5[%get3A_22, %get3A_23] : memref<128x128xf32, #tpu.memory_space<vmem>>, vector<128x128xf32>
    %dot_general3A_25 = arith.constant dense<0.000000e+00> : vector<20480x128xf32>
    %dot_general3A_26 = tpu.matmul %get3A_21, %get3A_24, %dot_general3A_25 {dimension_numbers = #tpu.dot_dimension_numbers<[1], [0], [0], [1], [0, 0, 1, 1], [], []>, transpose_lhs_hint = false} : vector<20480x128xf32>, vector<128x128xf32>, vector<20480x128xf32> -> vector<20480x128xf32>
    %add3A_27 = arith.addf %dot_general3A_26, %dot_general3A_18 : vector<20480x128xf32>
    %max3A = arith.constant 0.000000e+00 : f32
    %max3A_28 = vector.broadcast %max3A : f32 to vector<20480x128xf32>
    %max3A_29 = arith.maximumf %add3A_27, %max3A_28 : vector<20480x128xf32>
    %get3A_30 = arith.constant 0 : index
    %get3A_31 = arith.constant 0 : index
    %get3A_32 = vector.load %arg8[%get3A_30, %get3A_31] : memref<128x128xf32, #tpu.memory_space<vmem>>, vector<128x128xf32>
    %dot_general3A_33 = arith.constant dense<0.000000e+00> : vector<20480x128xf32>
    %dot_general3A_34 = tpu.matmul %max3A_29, %get3A_32, %dot_general3A_33 {dimension_numbers = #tpu.dot_dimension_numbers<[1], [0], [0], [1], [0, 0, 1, 1], [], []>, transpose_lhs_hint = false} : vector<20480x128xf32>, vector<128x128xf32>, vector<20480x128xf32> -> vector<20480x128xf32>
    %get3A_35 = arith.constant 0 : index
    %get3A_36 = arith.constant 0 : index
    %get3A_37 = vector.load %arg9[%get3A_35, %get3A_36] : memref<1x128xf32, #tpu.memory_space<vmem>>, vector<1x128xf32>
    %add3A_38 = vector.broadcast %get3A_37 : vector<1x128xf32> to vector<20480x128xf32>
    %add3A_39 = arith.addf %dot_general3A_34, %add3A_38 : vector<20480x128xf32>
    %max3A_40 = arith.constant 0.000000e+00 : f32
    %max3A_41 = vector.broadcast %max3A_40 : f32 to vector<20480x128xf32>
    %max3A_42 = arith.maximumf %add3A_39, %max3A_41 : vector<20480x128xf32>
    %slice3A = vector.extract_strided_slice %max3A_42 {offsets = [0, 0], sizes = [2048, 128], strides = [1, 1]} : vector<20480x128xf32> to vector<2048x128xf32>
    %slice3A_43 = vector.extract_strided_slice %max3A_42 {offsets = [2048, 0], sizes = [2048, 128], strides = [1, 1]} : vector<20480x128xf32> to vector<2048x128xf32>
    %add3A_44 = arith.addf %slice3A, %slice3A_43 : vector<2048x128xf32>
    %slice3A_45 = vector.extract_strided_slice %max3A_42 {offsets = [4096, 0], sizes = [2048, 128], strides = [1, 1]} : vector<20480x128xf32> to vector<2048x128xf32>
    %add3A_46 = arith.addf %add3A_44, %slice3A_45 : vector<2048x128xf32>
    %slice3A_47 = vector.extract_strided_slice %max3A_42 {offsets = [6144, 0], sizes = [2048, 128], strides = [1, 1]} : vector<20480x128xf32> to vector<2048x128xf32>
    %add3A_48 = arith.addf %add3A_46, %slice3A_47 : vector<2048x128xf32>
    %slice3A_49 = vector.extract_strided_slice %max3A_42 {offsets = [8192, 0], sizes = [2048, 128], strides = [1, 1]} : vector<20480x128xf32> to vector<2048x128xf32>
    %add3A_50 = arith.addf %add3A_48, %slice3A_49 : vector<2048x128xf32>
    %slice3A_51 = vector.extract_strided_slice %max3A_42 {offsets = [10240, 0], sizes = [2048, 128], strides = [1, 1]} : vector<20480x128xf32> to vector<2048x128xf32>
    %add3A_52 = arith.addf %add3A_50, %slice3A_51 : vector<2048x128xf32>
    %slice3A_53 = vector.extract_strided_slice %max3A_42 {offsets = [12288, 0], sizes = [2048, 128], strides = [1, 1]} : vector<20480x128xf32> to vector<2048x128xf32>
    %add3A_54 = arith.addf %add3A_52, %slice3A_53 : vector<2048x128xf32>
    %slice3A_55 = vector.extract_strided_slice %max3A_42 {offsets = [14336, 0], sizes = [2048, 128], strides = [1, 1]} : vector<20480x128xf32> to vector<2048x128xf32>
    %add3A_56 = arith.addf %add3A_54, %slice3A_55 : vector<2048x128xf32>
    %slice3A_57 = vector.extract_strided_slice %max3A_42 {offsets = [16384, 0], sizes = [2048, 128], strides = [1, 1]} : vector<20480x128xf32> to vector<2048x128xf32>
    %add3A_58 = arith.addf %add3A_56, %slice3A_57 : vector<2048x128xf32>
    %slice3A_59 = vector.extract_strided_slice %max3A_42 {offsets = [18432, 0], sizes = [2048, 128], strides = [1, 1]} : vector<20480x128xf32> to vector<2048x128xf32>
    %add3A_60 = arith.addf %add3A_58, %slice3A_59 : vector<2048x128xf32>
    %eq3A_61 = arith.constant 0 : i32
    %eq3A_62 = arith.cmpi eq, %arg0, %eq3A_61 : i32
    %convert_element_type3A_63 = arith.extui %eq3A_62 : i1 to i32
    %cond3A = arith.constant 0 : i32
    %cond3A_64 = arith.cmpi ne, %convert_element_type3A_63, %cond3A : i32
    scf.if %cond3A_64 {
      %get3A_76 = arith.constant 0 : index
      %get3A_77 = arith.constant 0 : index
      %get3A_78 = vector.load %arg3[%get3A_76, %get3A_77] : memref<2048x128xf32, #tpu.memory_space<vmem>>, vector<2048x128xf32>
      %swap3A_79 = arith.constant 0 : index
      %swap3A_80 = arith.constant 0 : index
      %swap3A_81 = vector.load %arg10[%swap3A_79, %swap3A_80] : memref<2048x128xf32, #tpu.memory_space<vmem>>, vector<2048x128xf32>
      tpu.vector_store %arg10[%swap3A_79, %swap3A_80], %get3A_78 {strides = array<i32>} : memref<2048x128xf32, #tpu.memory_space<vmem>>, vector<2048x128xf32>,
    } else {
    }
    %get3A_65 = arith.constant 0 : index
    %get3A_66 = arith.constant 0 : index
    %get3A_67 = vector.load %arg10[%get3A_65, %get3A_66] : memref<2048x128xf32, #tpu.memory_space<vmem>>, vector<2048x128xf32>
    %add3A_68 = arith.addf %get3A_67, %add3A_60 : vector<2048x128xf32>
    %swap3A = arith.constant 0 : index
    %swap3A_69 = arith.constant 0 : index
    %swap3A_70 = vector.load %arg10[%swap3A, %swap3A_69] : memref<2048x128xf32, #tpu.memory_space<vmem>>, vector<2048x128xf32>
    tpu.vector_store %arg10[%swap3A, %swap3A_69], %add3A_68 {strides = array<i32>} : memref<2048x128xf32, #tpu.memory_space<vmem>>, vector<2048x128xf32>,
    %eq3A_71 = arith.constant 4 : i32
    %eq3A_72 = arith.cmpi eq, %arg0, %eq3A_71 : i32
    %convert_element_type3A_73 = arith.extui %eq3A_72 : i1 to i32
    %cond3A_74 = arith.constant 0 : i32
    %cond3A_75 = arith.cmpi ne, %convert_element_type3A_73, %cond3A_74 : i32
    scf.if %cond3A_75 {
      %get3A_76 = arith.constant 0 : index
      %get3A_77 = arith.constant 0 : index
      %get3A_78 = vector.load %arg10[%get3A_76, %get3A_77] : memref<2048x128xf32, #tpu.memory_space<vmem>>, vector<2048x128xf32>
      %mul3A = arith.constant 2.000000e-02 : f32
      %mul3A_79 = vector.broadcast %mul3A : f32 to vector<2048x128xf32>
      %mul3A_80 = arith.mulf %get3A_78, %mul3A_79 : vector<2048x128xf32>
      %swap3A_81 = arith.constant 0 : index
      %swap3A_82 = arith.constant 0 : index
      %swap3A_83 = vector.load %arg10[%swap3A_81, %swap3A_82] : memref<2048x128xf32, #tpu.memory_space<vmem>>, vector<2048x128xf32>
      tpu.vector_store %arg10[%swap3A_81, %swap3A_82], %mul3A_80 {strides = array<i32>} : memref<2048x128xf32, #tpu.memory_space<vmem>>, vector<2048x128xf32>,
    } else {
    }
    return
  }
  func.func @transform_0(%arg0: i32) -> (i32, i32) {
    %c0_i32 = arith.constant 0 : i32
    %c0_i32_0 = arith.constant 0 : i32
    return %arg0, %c0_i32 : i32, i32
  }
  func.func @transform_1(%arg0: i32) -> (i32, i32) {
    %c0_i32 = arith.constant 0 : i32
    %c0_i32_0 = arith.constant 0 : i32
    return %c0_i32, %arg0 : i32, i32
  }
  func.func @transform_2(%arg0: i32) -> (i32, i32) {
    %c0_i32 = arith.constant 0 : i32
    %c0_i32_0 = arith.constant 0 : i32
    %c0_i32_1 = arith.constant 0 : i32
    return %c0_i32, %c0_i32_0 : i32, i32
  }
  func.func @transform_3(%arg0: i32) -> (i32, i32) {
    %c0_i32 = arith.constant 0 : i32
    %c0_i32_0 = arith.constant 0 : i32
    %c0_i32_1 = arith.constant 0 : i32
    return %c0_i32, %c0_i32_0 : i32, i32
  }
  func.func @transform_4(%arg0: i32) -> (i32, i32) {
    %c0_i32 = arith.constant 0 : i32
    %c0_i32_0 = arith.constant 0 : i32
    %c0_i32_1 = arith.constant 0 : i32
    return %c0_i32, %c0_i32_0 : i32, i32
  }
  func.func @transform_5(%arg0: i32) -> (i32, i32) {
    %c0_i32 = arith.constant 0 : i32
    %c0_i32_0 = arith.constant 0 : i32
    %c0_i32_1 = arith.constant 0 : i32
    return %c0_i32, %c0_i32_0 : i32, i32
  }
  func.func @transform_6(%arg0: i32) -> (i32, i32) {
    %c0_i32 = arith.constant 0 : i32
    %c0_i32_0 = arith.constant 0 : i32
    %c0_i32_1 = arith.constant 0 : i32
    return %c0_i32, %c0_i32_0 : i32, i32
  }
  func.func @transform_7(%arg0: i32) -> (i32, i32) {
    %c0_i32 = arith.constant 0 : i32
    %c0_i32_0 = arith.constant 0 : i32
    %c0_i32_1 = arith.constant 0 : i32
    return %c0_i32, %c0_i32_0 : i32, i32
  }
  func.func @transform_8(%arg0: i32) -> (i32, i32) {
    %c0_i32 = arith.constant 0 : i32
    %c0_i32_0 = arith.constant 0 : i32
    %c0_i32_1 = arith.constant 0 : i32
    return %c0_i32, %c0_i32_0 : i32, i32
  }
  func.func @transform_9(%arg0: i32) -> (i32, i32) {
    %c0_i32 = arith.constant 0 : i32
    %c0_i32_0 = arith.constant 0 : i32
    %c0_i32_1 = arith.constant 0 : i32
    return %c0_i32, %c0_i32_0 : i32, i32
  }
}

</mosaic_0001>

<sc_bundles>
// kernel: kernel.4.cloned.1.call-start
scs
__scs_entry_jumppad:
0x0: {  	(pc) =	sbr.rel $0x88, $3  }
0x1: {  	(tag) =	ssettag $0x0;
	lr =	simm.s32 $0x1  }
0x2: {  	[smem:$0x3F99] =	sst lr;
	_ =	strace $0xD0000000  }
0x3: {  	_ = 	snop  }
0x4: {  	_ = 	snop  }
0x5: {  	_ = 	snop  }
0x6: {  	_ = 	snop  }
0x7: {  	_ = 	snop  }
__scs_overlays_trampoline_lowered:
0x8: {  	[smem:$0x3FA8] =	sst s0  }
0x9: {  	[smem:$0x3FA9] =	sst s1  }
0xa: {  	[smem:$0x3FAA] =	sst s2  }
0xb: {  	[smem:$0x3FAB] =	sst s3  }
0xc: {  	[smem:$0x3FAC] =	sst s4  }
0xd: {  	[smem:$0x3FAD] =	sst s5  }
0xe: {  	[smem:$0x3FAE] =	sst s6  }
0xf: {  	[smem:$0x3FAF] =	sst s7  }
0x10: {  	[smem:$0x3FB0] =	sst s8  }
0x11: {  	[smem:$0x3FB1] =	sst s9;
	s0 =	simm.s32 @!p0 $0x0  }
0x12: {  	s1 =	sld [smem:$0x3F97];
	s0 =	simm.s32 @p0 $0x1  }
0x13: {  	[smem:$0x3FB2] =	sst s0;
	s0 =	simm.s32 @!p1 $0x0  }
0x14: {  	s2 =	sld [smem:$0x3F96];
	s0 =	simm.s32 @p1 $0x1  }
0x15: {  	[smem:$0x3FB3] =	sst s0;
	s0 =	simm.s32 @!p2 $0x0  }
0x16: {  	s3 =	sld [smem:$0x3FDB];
	s0 =	simm.s32 @p2 $0x1  }
0x17: {  	s4 =	simm.s32 $0x1BF5;
	[smem:$0x3FB5] =	sst s0  }
0x18: {  	s0 =	sld [smem:$0x3F98];
	_ =	swait.ge [sflag:s4], $0x0  }
0x19: {  	s7 =	sld [smem:$0x3F99]  }
0x1a: {  	s8 =	sadd.s32 $0xFFFFE003, lr  }
0x1b: {  	s9 =	sadd.s32 $0xFFFFFEF7, lr;
	s5 =	simm.s32 $0xFFFFFFFF;
	p2 =	slt.u32 s8, $0xFFFFF086  }
0x1c: {  	p1 =	slt.u32 s9, $0xF7A;
	s5 =	simm.s32 @!p2 $0x0  }
0x1d: {  	s5 =	simm.s32 @p1 $0x1;
	p0 =	seq.s32 s7, s2  }
0x1e: {  	s7 =	smul.u32 @!p0 $0xF7A, s2;
	p2 =	seq.s32 @!p0 s5, $0x0  }
0x1f: {  	s9 =	smul.u32 $0xF7A, s1;
	s8 =	simm.s32 @!p0 $0x1BF5;
	p2 =	por !p2, p0  }
0x20: {  	[sflag:s8] =	ssyncset.s32 @!p0 $0xFFFFF086;
	s6 =	sadd.s32 @!p0 s3, s7;
	s7 =	simm.s32 @!p0 $0x108  }
0x21: {  	s3 =	sadd.s32 s3, s9;
	s6 =	sadd.s32 @!p0 $0x88, s6;
	s7 =	simm.s32 @p2 $0x1082  }
0x22: {  	[simem:s7], [sflag:s8] =	dma.local @!p0 [hbm:s6], $0xF7A  }
0x23: {  	s9 =	sor.u32 $0xD0000000, s2;
	s6 =	simm.s32 $0x108;
	_ =	swait.ge @!p0 [sflag:s8], $0x0  }
0x24: {  	s3 =	sadd.s32 $0x88, s3;
	s6 =	simm.s32 @!p1 $0x1082;
	[sflag:s4] =	ssyncset.s32 $0xFFFFF086  }
0x25: {  	[simem:s6], [sflag:s4] =	dma.local [hbm:s3], $0xF7A  }
0x26: {  	[smem:$0x3F99] =	sst s1;
	(tag) =	ssettag s2;
	_ =	strace s9  }
0x27: {  	s1 =	sld [smem:$0x3FA9]  }
0x28: {  	s2 =	sld [smem:$0x3FAA]  }
0x29: {  	s4 =	sld [smem:$0x3FAC]  }
0x2a: {  	p0 =	seq.s32 s5, $0x0;
	s5 =	sld [smem:$0x3FAD]  }
0x2b: {  	s6 =	sld [smem:$0x3FAE]  }
0x2c: {  	s7 =	sld [smem:$0x3FAF]  }
0x2d: {  	s3 =	simm.s32 $0x108;
	s8 =	sld [smem:$0x3FB0]  }
0x2e: {  	s3 =	simm.s32 @!p0 $0x1082;
	s9 =	sld [smem:$0x3FB1]  }
0x2f: {  	lr =	sadd.s32 s0, s3;
	s0 =	sld [smem:$0x3FA8]  }
0x30: {  	s3 =	sld [smem:$0x3FAB]  }
0x31: {  	[smem:$0x3FB4] =	sst s10  }
0x32: {  	s10 =	sld [smem:$0x3FB2];
	_ =	sdelay $0x3  }
0x33: {  	p0 =	seq.s32 s10, $0x1;
	s10 =	sld [smem:$0x3FB4];
	_ =	sdelay $0x3  }
0x34: {  	[smem:$0x3FB4] =	sst s10  }
0x35: {  	s10 =	sld [smem:$0x3FB3];
	_ =	sdelay $0x3  }
0x36: {  	p1 =	seq.s32 s10, $0x1;
	s10 =	sld [smem:$0x3FB4];
	_ =	sdelay $0x3  }
0x37: {  	[smem:$0x3FB4] =	sst s10  }
0x38: {  	s10 =	sld [smem:$0x3FB5]  }
0x39: {  	_ = 	snop;
	(pc) =	sbr.ind lr, $3  }
0x3a: {  	_ = 	snop  }
0x3b: {  	_ = 	snop  }
0x3c: {  	p2 =	seq.s32 s10, $0x1;
	s10 =	sld [smem:$0x3FB4]  }
0x3d: {  	_ =	shalt  }
0x3e: {  	_ =	shalt  }
0x3f: {  	_ =	shalt  }
0x40: {  	_ =	shalt  }
0x41: {  	_ =	shalt  }
0x42: {  	_ =	shalt  }
0x43: {  	_ =	shalt  }
0x44: {  	_ =	shalt  }
0x45: {  	_ =	shalt  }
0x46: {  	_ =	shalt  }
0x47: {  	_ =	shalt  }
0x48: {  	_ =	shalt  }
0x49: {  	_ =	shalt  }
0x4a: {  	_ =	shalt  }
0x4b: {  	_ =	shalt  }
0x4c: {  	_ =	shalt  }
0x4d: {  	_ =	shalt  }
0x4e: {  	_ =	shalt  }
0x4f: {  	_ =	shalt  }
0x50: {  	_ =	shalt  }
0x51: {  	_ =	shalt  }
0x52: {  	_ =	shalt  }
0x53: {  	_ =	shalt  }
0x54: {  	_ =	shalt  }
0x55: {  	_ =	shalt  }
0x56: {  	_ =	shalt  }
0x57: {  	_ =	shalt  }
0x58: {  	_ =	shalt  }
0x59: {  	_ =	shalt  }
0x5a: {  	_ =	shalt  }
0x5b: {  	_ =	shalt  }
0x5c: {  	_ =	shalt  }
0x5d: {  	_ =	shalt  }
0x5e: {  	_ =	shalt  }
0x5f: {  	_ =	shalt  }
0x60: {  	_ =	shalt  }
0x61: {  	_ =	shalt  }
0x62: {  	_ =	shalt  }
0x63: {  	_ =	shalt  }
0x64: {  	_ =	shalt  }
0x65: {  	_ =	shalt  }
0x66: {  	_ =	shalt  }
0x67: {  	_ =	shalt  }
0x68: {  	_ =	shalt  }
0x69: {  	_ =	shalt  }
0x6a: {  	_ =	shalt  }
0x6b: {  	_ =	shalt  }
0x6c: {  	_ =	shalt  }
0x6d: {  	_ =	shalt  }
0x6e: {  	_ =	shalt  }
0x6f: {  	_ =	shalt  }
0x70: {  	_ =	shalt  }
0x71: {  	_ =	shalt  }
0x72: {  	_ =	shalt  }
0x73: {  	_ =	shalt  }
0x74: {  	_ =	shalt  }
0x75: {  	_ =	shalt  }
0x76: {  	_ =	shalt  }
0x77: {  	_ =	shalt  }
0x78: {  	_ =	shalt  }
0x79: {  	_ =	shalt  }
0x7a: {  	_ =	shalt  }
0x7b: {  	_ =	shalt  }
0x7c: {  	_ =	shalt  }
0x7d: {  	_ =	shalt  }
0x7e: {  	_ =	shalt  }
0x7f: {  	_ =	shalt  }
0x80: {  	_ =	shalt  }
0x81: {  	_ =	shalt  }
0x82: {  	_ =	shalt  }
0x83: {  	_ =	shalt  }
0x84: {  	_ =	shalt  }
0x85: {  	_ =	shalt  }
0x86: {  	_ =	shalt  }
0x87: {  	_ =	shalt  }
.Lfunc_end0:
.L_simem_size_0:
called_computation_lowered:
.L_overlay_start_0:
0x88: {  	s2 =	sld [smem:$0x3FD9]  }
0x89: {  	s3 =	sld [smem:$0x3FFE];
	_ =	sdelay $0x1  }
0x8a: {  	s1 =	srdreg.scid  }
0x8b: {  	s0 =	sand.u32 $0x1, s1  }
0x8c: {  	s17 =	sshll.u32 s0, $0xA;
	s2 =	sadd.s32 s3, s2  }
0x8d: {  	s2 =	sadd.s32 s2, s17  }
0x8e: {  	[smem:$0x3FC0] =	sst s2  }
0x8f: {  	_ = 	snop  }
0x90: {  	s2 =	sld [smem:$0x3FD0];
	(tm) =	ssettm $0x1  }
0x91: {  	s18 =	sld [smem:$0x3FFB];
	_ =	sdelay $0x3  }
0x92: {  	_ =	strace s18  }
0x93: {  	s3 =	sld [smem:$0x3FFC];
	_ =	sdelay $0x3  }
0x94: {  	_ =	strace s3  }
0x95: {  	s3 =	sld [smem:$0x3FFD];
	_ =	sdelay $0x3  }
0x96: {  	_ =	strace s3  }
0x97: {  	_ =	strace $0x8FFFFFFF  }
0x98: {  	s19 =	sld [smem:$0x3FDB];
	_ =	sdelay $0x1  }
0x99: {  	s4 =	simm.s32 $_scs_section_size  }
0x9a: {  	s5 =	simm.s32 $_size__tile_overlayer_lowered;
	s6 =	simm.s32 $_tile_overlayer_lowered  }
0x9b: {  	s22 =	simm.s32 $0x1BFF;
	s21 =	sshll.u32 s6, $0x1;
	s3 =	sadd.s32 s4, s19  }
0x9c: {  	s7 =	simm.s32 $0x0;
	s20 =	sshll.u32 s5, $0x1;
	s5 =	sadd.s32 s21, s3  }
0x9d: {  	[timem:s7], [sflag:s22] =	dma.local [hbm:s5], s20  }
0x9e: {  	_ =	swait.ge [sflag:s22], s20  }
0x9f: {  	s4 =	ssub.s32 $0x0, s20;
	[sflag:s22] =	ssyncset.done $0x0  }
0xa0: {  	[sflag:s22] =	ssyncadd.s32 s4;
	_ =	sdelay $0x1  }
0xa1: {  	s23 =	simm.s32 $0x1B8B  }
0xa2: {  	_ =	swait.ge [sflag:s23], $0x1  }
0xa3: {  	[sflag:s23] =	ssyncset.done $0x0  }
0xa4: {  	s25 =	simm.s32 $0x1B8E;
	s24 =	sld [smem:$0x3FFE];
	[sflag:s23] =	ssyncadd.s32 $0xFFFFFFFF  }
0xa5: {  	s26 =	simm.s32 $execute0_lowered;
	[smem:$0x3FD2] =	sst s25  }
0xa6: {  	s5 =	sshll.u32 s26, $0x1;
	_ =	strace $0x80000046;
	[dreg:$0x1] =	wrdreg $0xFFFFFFFF  }
0xa7: {  	s28 =	simm.s32 $_size_execute0_lowered;
	s3 =	sadd.s32 s3, s5;
	[dreg:$0x0] =	wrdreg $0x0  }
0xa8: {  	s5 =	sshll.u32 s28, $0x1;
	[dreg:$0x2] =	wrdreg s3  }
0xa9: {  	[dreg:$0x3] =	wrdreg s5  }
0xaa: {  	[dreg:$0x4] =	wrdreg $0xC0  }
0xab: {  	_ =	task [dreg:s7], $0x5FFFF  }
0xac: {  	[dreg:$0x1] =	wrdreg $0xFFFFFFFF  }
0xad: {  	[dreg:$0x0] =	wrdreg $0x60  }
0xae: {  	[dreg:$0x2] =	wrdreg s24  }
0xaf: {  	[dreg:$0x3] =	wrdreg s2  }
0xb0: {  	[dreg:$0x4] =	wrdreg $0x9  }
0xb1: {  	_ =	task.clear_ibuf [dreg:s7], $0x5FFFF;
	_ =	strace $0x90000046  }
0xb2: {  	s29 =	simm.s32 $0x9;
	_ =	strace $0x80000048  }
0xb3: {  	_ =	swait.ge [sflag:s29], $0x1  }
0xb4: {  	[sflag:s29] =	ssyncadd.s32 $0xFFFFFFFF  }
0xb5: {  	_ =	strace $0x90000048  }
0xb6: {  	_ =	sfence  }
0xb7: {  	s30 =	sld [smem:$0x0];
	_ =	sdelay $0x2  }
0xb8: {  	s31 =	sshll.u32 s1, $0xD;
	s1 =	sshrl.u32 s1, $0x2  }
0xb9: {  	s3 =	sand.u32 $0x4000, s31;
	s1 =	sadd.s32 s1, s30  }
0xba: {  	s0 =	sor.u32 s3, s0;
	s1 =	sshll.u32 s1, $0x11  }
0xbb: {  	s0 =	sor.u32 s1, s0  }
0xbc: {  	s0 =	sadd.s32 $0x8F2B, s0  }
0xbd: {  	[sflag:s0] =	ssyncadd.remote.s32 $0x1  }
0xbe: {  	_ =	sfence.sel $0xFFFF  }
0xbf: {  	[dreg:$0x0] =	wrdreg $0xFFFFFFFF;
	(pc) =	sbr.abs _section_cstart, $3  }
0xc0: {  	[dreg:$0x1] =	wrdreg $0xFFFFFFFF  }
0xc1: {  	_ =	task.clear_ibuf [dreg:s7], $0x2FFFF;
	_ =	strace $0x9FFFFFFF  }
0xc2: {  	(tm) =	ssettm $0x7FFFFFFF  }
0xc3: {  	_ =	shalt  }
tec
execute0_lowered:
.L_overlay_start_1:
0x0: {  	(tag) =	ssettag $0x1  }
0x1: {  	s0 =	srdreg.scid;
	s17 =	stileid.u32  }
0x2: {  	s0 =	sand.u32 $0x1, s0;
	s2 =	sshll.u32 s17, $0x1  }
0x3: {  	s4 =	sor.u32 s0, s2  }
0x4: {  	s1 =	rddreg [dreg:$0x0];
	s5 =	smul.u32 $0x320, s4  }
0x5: {  	s3 =	rddreg [dreg:$0x1];
	s2 =	simm.s32 $0x0;
	s6 =	smul.u32 $0x64000, s4  }
0x6: {  	s7 =	sadd.s32 $0x24B200, s1;
	[smem:$0x7FF] =	sst s2;
	s4 =	smul.u32 $0xC800, s4  }
0x7: {  	_ =	strace $0x80000047;
	s3 =	sadd.s32 s3, s5;
	s20 =	sshrl.u32 s6, $0x3  }
0x8: {  	s21 =	sadd.s32 s7, s4;
	[dreg:$0x3] =	wrdreg s3;
	s22 =	sadd.s32 s7, s20  }
0x9: {  	[dreg:$0x4] =	wrdreg s21;
	s23 =	sadd.s32 $0xA00, s22  }
0xa: {  	s24 =	sadd.s32 $0x1400, s22;
	[dreg:$0x5] =	wrdreg s23  }
0xb: {  	s25 =	sadd.s32 $0x1E00, s22;
	[dreg:$0x6] =	wrdreg s24  }
0xc: {  	s26 =	sadd.s32 $0x2800, s22;
	[dreg:$0x7] =	wrdreg s25  }
0xd: {  	s5 =	sadd.s32 $0x3200, s22;
	[dreg:$0x8] =	wrdreg s26  }
0xe: {  	s6 =	sadd.s32 $0x3C00, s22;
	[dreg:$0x9] =	wrdreg s5  }
0xf: {  	s7 =	sadd.s32 $0x4600, s22;
	[dreg:$0xa] =	wrdreg s6  }
0x10: {  	s8 =	sadd.s32 $0x5000, s22;
	[dreg:$0xb] =	wrdreg s7  }
0x11: {  	s31 =	simm.s32 $0x9;
	s9 =	sadd.s32 $0x5A00, s22;
	[dreg:$0xc] =	wrdreg s8  }
0x12: {  	s30 =	simm.s32 $0xA00;
	s10 =	sadd.s32 $0x6400, s22;
	[dreg:$0xd] =	wrdreg s9  }
0x13: {  	s29 =	simm.s32 $0xB40;
	s11 =	sadd.s32 $0x6E00, s22;
	[dreg:$0xe] =	wrdreg s10  }
0x14: {  	s28 =	simm.s32 $0xC80;
	s12 =	sadd.s32 $0x7800, s22;
	[dreg:$0xf] =	wrdreg s11  }
0x15: {  	p0 =	por $0x0, $0x0;
	s13 =	sadd.s32 $0x8200, s22;
	[dreg:$0x10] =	wrdreg s12  }
0x16: {  	s0 =	ssub.s32 $0x2, s0;
	s14 =	sadd.s32 $0x8C00, s22;
	[dreg:$0x11] =	wrdreg s13  }
0x17: {  	s4 =	simm.s32 $0x5;
	s15 =	sadd.s32 $0x9600, s22;
	[dreg:$0x12] =	wrdreg s14  }
0x18: {  	s20 =	sshrl.u32 s0, $0x1;
	s16 =	sadd.s32 $0xA000, s22;
	[dreg:$0x13] =	wrdreg s15  }
0x19: {  	s3 =	simm.s32 $0x10900;
	s18 =	sadd.s32 $0xAA00, s22;
	[dreg:$0x14] =	wrdreg s16  }
0x1a: {  	s19 =	sadd.s32 $0xB400, s22;
	s21 =	sadd.s32 $0xBE00, s22;
	[dreg:$0x15] =	wrdreg s18  }
0x1b: {  	s0 =	ssub.s32 s0, s20;
	s22 =	simm.s32 $0x280;
	[dreg:$0x16] =	wrdreg s19  }
0x1c: {  	s20 =	simm.s32 $0x1540;
	s10 =	sadd.s32 $0x187C00, s1;
	[dreg:$0x17] =	wrdreg s21  }
0x1d: {  	s0 =	smax.u32 s0, $0x1;
	s12 =	simm.s32 $0x140;
	s11 =	simm.s32 $0x1900  }
0x1e: {  	s9 =	simm.s32 $0x6900;
	[dreg:$0x18] =	wrdreg s22;
	s6 =	simm.s32 $0xB900  }
0x1f: {  	s23 =	simm.s32 $0x3C0;
	s24 =	simm.s32 $0x500;
	s16 =	simm.s32 $0x1  }
0x20: {  	s15 =	simm.s32 $0x2;
	s5 =	simm.s32 $0x6;
	s25 =	simm.s32 $0x640  }
0x21: {  	s14 =	simm.s32 $0x3;
	s26 =	simm.s32 $0x780;
	s7 =	simm.s32 $0x7  }
0x22: {  	s13 =	simm.s32 $0x4;
	[dreg:$0x19] =	wrdreg s23;
	p1 =	sne.s32 s0, $0x1  }
.Ltmp0:
0x23: {  	s8 =	simm.s32 $0x8;
	[dreg:$0x1a] =	wrdreg s24;
	(pc) =	sbr.rel @!p1 .LBB2_1-.Ltmp0, $4  }
0x24: {  	s22 =	simm.s32 $0x12C0;
	s21 =	simm.s32 $0x1400;
	[dreg:$0x1b] =	wrdreg s25  }
0x25: {  	s19 =	simm.s32 $0x1680;
	s18 =	simm.s32 $0x17C0;
	[dreg:$0x1c] =	wrdreg s26  }
0x26: {  	s26 =	simm.s32 $0xDC0;
	s25 =	simm.s32 $0xF00;
	s24 =	simm.s32 $0x1040  }
0x27: {  	s1 =	sadd.s32 $0xFFFFFFFF, s0;
	s23 =	simm.s32 $0x1180;
	s0 =	rddreg [dreg:$0x3]  }
0x28: {  	[tilespmem:s2], [sflag:$0x9] =	stream.linear.gather [hbm4b:s0+s2], $0x1900, $0x38;
	[tilespmem:$0x15900] =	vst v63  }
0x29: {  	_ =	swait.ge [sflag:s31], $0x1900  }
0x2a: {  	[sflag:s31] =	ssyncset.done $0x0  }
0x2b: {  	[sflag:s31] =	ssyncadd.s32 $0xFFFFE700  }
0x2c: {  	[tilespmem:s11], [sflag:$0x1] =	stream.indirect.gather [hbm4b:s10+s12], $0x40, s2, s12, $0xb8;
	[tilespmem:$0x15900] =	vst v63  }
0x2d: {  	_ = 	snop  }
0x2e: {  	[tilespmem:s9], [sflag:$0x2] =	stream.indirect.gather [hbm4b:s10+s12], $0x40, s12, s12, $0xb8;
	[tilespmem:$0x15900] =	vst v63  }
0x2f: {  	s0 =	rddreg [dreg:$0x18]  }
0x30: {  	[tilespmem:s6], [sflag:$0x3] =	stream.indirect.gather [hbm4b:s10+s12], $0x40, s0, s12, $0xb8;
	[tilespmem:$0x15900] =	vst v63  }
0x31: {  	s17 =	smov.u32 s1;
	s1 =	rddreg [dreg:$0x19]  }
0x32: {  	[tilespmem:s3], [sflag:$0x4] =	stream.indirect.gather [hbm4b:s10+s12], $0x40, s1, s12, $0xb8;
	[tilespmem:$0x15900] =	vst v63  }
0x33: {  	_ =	swait.ge [sflag:s16], $0x5000  }
0x34: {  	[sflag:s16] =	ssyncset.done $0x0  }
0x35: {  	s1 =	rddreg [dreg:$0x4];
	[sflag:s16] =	ssyncadd.s32 $0xFFFFB000  }
0x36: {  	[hbm4b:s1+s2] =	stream.linear.scatter [tilespmem:s11], [sflag:$0x5], $0x5000, $0x38;
	[tilespmem:$0x15900] =	vst v63  }
0x37: {  	_ =	swait.ge [sflag:s4], $0x5000  }
0x38: {  	[sflag:s4] =	ssyncset.done $0x0  }
0x39: {  	s1 =	rddreg [dreg:$0x1a];
	[sflag:s4] =	ssyncadd.s32 $0xFFFFB000  }
0x3a: {  	[tilespmem:s11], [sflag:$0x1] =	stream.indirect.gather [hbm4b:s10+s12], $0x40, s1, s12, $0xb8;
	[tilespmem:$0x15900] =	vst v63  }
0x3b: {  	_ =	swait.ge [sflag:s15], $0x5000  }
0x3c: {  	[sflag:s15] =	ssyncset.done $0x0  }
0x3d: {  	s1 =	rddreg [dreg:$0x5];
	[sflag:s15] =	ssyncadd.s32 $0xFFFFB000  }
0x3e: {  	[hbm4b:s1+s2] =	stream.linear.scatter [tilespmem:s9], [sflag:$0x6], $0x5000, $0x38;
	[tilespmem:$0x15900] =	vst v63  }
0x3f: {  	_ =	swait.ge [sflag:s5], $0x5000  }
0x40: {  	[sflag:s5] =	ssyncset.done $0x0  }
0x41: {  	s1 =	rddreg [dreg:$0x1b];
	[sflag:s5] =	ssyncadd.s32 $0xFFFFB000  }
0x42: {  	[tilespmem:s9], [sflag:$0x2] =	stream.indirect.gather [hbm4b:s10+s12], $0x40, s1, s12, $0xb8;
	[tilespmem:$0x15900] =	vst v63  }
0x43: {  	_ =	swait.ge [sflag:s14], $0x5000  }
0x44: {  	[sflag:s14] =	ssyncset.done $0x0  }
0x45: {  	s1 =	rddreg [dreg:$0x6];
	[sflag:s14] =	ssyncadd.s32 $0xFFFFB000  }
0x46: {  	[hbm4b:s1+s2] =	stream.linear.scatter [tilespmem:s6], [sflag:$0x7], $0x5000, $0x38;
	[tilespmem:$0x15900] =	vst v63  }
0x47: {  	_ =	swait.ge [sflag:s7], $0x5000  }
0x48: {  	[sflag:s7] =	ssyncset.done $0x0  }
0x49: {  	s1 =	rddreg [dreg:$0x1c];
	[sflag:s7] =	ssyncadd.s32 $0xFFFFB000  }
0x4a: {  	[tilespmem:s6], [sflag:$0x3] =	stream.indirect.gather [hbm4b:s10+s12], $0x40, s1, s12, $0xb8;
	[tilespmem:$0x15900] =	vst v63  }
0x4b: {  	_ =	swait.ge [sflag:s13], $0x5000  }
0x4c: {  	[sflag:s13] =	ssyncset.done $0x0  }
0x4d: {  	s1 =	rddreg [dreg:$0x7];
	[sflag:s13] =	ssyncadd.s32 $0xFFFFB000  }
0x4e: {  	[hbm4b:s1+s2] =	stream.linear.scatter [tilespmem:s3], [sflag:$0x8], $0x5000, $0x38;
	[tilespmem:$0x15900] =	vst v63  }
0x4f: {  	_ =	swait.ge [sflag:s8], $0x5000  }
0x50: {  	[sflag:s8] =	ssyncset.done $0x0  }
0x51: {  	s1 =	simm.s32 $0x8C0;
	[sflag:s8] =	ssyncadd.s32 $0xFFFFB000  }
0x52: {  	[tilespmem:s3], [sflag:$0x4] =	stream.indirect.gather [hbm4b:s10+s12], $0x40, s1, s12, $0xb8;
	[tilespmem:$0x15900] =	vst v63  }
0x53: {  	_ =	swait.ge [sflag:s16], $0x5000  }
0x54: {  	[sflag:s16] =	ssyncset.done $0x0  }
0x55: {  	s1 =	rddreg [dreg:$0x8];
	[sflag:s16] =	ssyncadd.s32 $0xFFFFB000  }
0x56: {  	[hbm4b:s1+s2] =	stream.linear.scatter [tilespmem:s11], [sflag:$0x5], $0x5000, $0x38;
	[tilespmem:$0x15900] =	vst v63  }
0x57: {  	_ =	swait.ge [sflag:s4], $0x5000  }
0x58: {  	[sflag:s4] =	ssyncset.done $0x0  }
0x59: {  	[sflag:s4] =	ssyncadd.s32 $0xFFFFB000  }
0x5a: {  	[tilespmem:s11], [sflag:$0x1] =	stream.indirect.gather [hbm4b:s10+s12], $0x40, s30, s12, $0xb8;
	[tilespmem:$0x15900] =	vst v63  }
0x5b: {  	_ =	swait.ge [sflag:s15], $0x5000  }
0x5c: {  	[sflag:s15] =	ssyncset.done $0x0  }
0x5d: {  	s1 =	rddreg [dreg:$0x9];
	[sflag:s15] =	ssyncadd.s32 $0xFFFFB000  }
0x5e: {  	[hbm4b:s1+s2] =	stream.linear.scatter [tilespmem:s9], [sflag:$0x6], $0x5000, $0x38;
	[tilespmem:$0x15900] =	vst v63  }
0x5f: {  	_ =	swait.ge [sflag:s5], $0x5000  }
0x60: {  	[sflag:s5] =	ssyncset.done $0x0  }
0x61: {  	[sflag:s5] =	ssyncadd.s32 $0xFFFFB000  }
0x62: {  	[tilespmem:s9], [sflag:$0x2] =	stream.indirect.gather [hbm4b:s10+s12], $0x40, s29, s12, $0xb8;
	[tilespmem:$0x15900] =	vst v63  }
0x63: {  	_ =	swait.ge [sflag:s14], $0x5000  }
0x64: {  	[sflag:s14] =	ssyncset.done $0x0  }
0x65: {  	s1 =	rddreg [dreg:$0xa];
	[sflag:s14] =	ssyncadd.s32 $0xFFFFB000  }
0x66: {  	[hbm4b:s1+s2] =	stream.linear.scatter [tilespmem:s6], [sflag:$0x7], $0x5000, $0x38;
	[tilespmem:$0x15900] =	vst v63  }
0x67: {  	_ =	swait.ge [sflag:s7], $0x5000  }
0x68: {  	[sflag:s7] =	ssyncset.done $0x0  }
0x69: {  	[sflag:s7] =	ssyncadd.s32 $0xFFFFB000  }
0x6a: {  	[tilespmem:s6], [sflag:$0x3] =	stream.indirect.gather [hbm4b:s10+s12], $0x40, s28, s12, $0xb8;
	[tilespmem:$0x15900] =	vst v63  }
0x6b: {  	_ =	swait.ge [sflag:s13], $0x5000  }
0x6c: {  	[sflag:s13] =	ssyncset.done $0x0  }
0x6d: {  	s1 =	rddreg [dreg:$0xb];
	[sflag:s13] =	ssyncadd.s32 $0xFFFFB000  }
0x6e: {  	[hbm4b:s1+s2] =	stream.linear.scatter [tilespmem:s3], [sflag:$0x8], $0x5000, $0x38;
	[tilespmem:$0x15900] =	vst v63  }
0x6f: {  	_ =	swait.ge [sflag:s8], $0x5000  }
0x70: {  	[sflag:s8] =	ssyncset.done $0x0  }
0x71: {  	[sflag:s8] =	ssyncadd.s32 $0xFFFFB000  }
0x72: {  	[tilespmem:s3], [sflag:$0x4] =	stream.indirect.gather [hbm4b:s10+s12], $0x40, s26, s12, $0xb8;
	[tilespmem:$0x15900] =	vst v63  }
0x73: {  	_ =	swait.ge [sflag:s16], $0x5000  }
0x74: {  	[sflag:s16] =	ssyncset.done $0x0  }
0x75: {  	s1 =	rddreg [dreg:$0xc];
	[sflag:s16] =	ssyncadd.s32 $0xFFFFB000  }
0x76: {  	[hbm4b:s1+s2] =	stream.linear.scatter [tilespmem:s11], [sflag:$0x5], $0x5000, $0x38;
	[tilespmem:$0x15900] =	vst v63  }
0x77: {  	_ =	swait.ge [sflag:s4], $0x5000  }
0x78: {  	[sflag:s4] =	ssyncset.done $0x0  }
0x79: {  	[sflag:s4] =	ssyncadd.s32 $0xFFFFB000  }
0x7a: {  	[tilespmem:s11], [sflag:$0x1] =	stream.indirect.gather [hbm4b:s10+s12], $0x40, s25, s12, $0xb8;
	[tilespmem:$0x15900] =	vst v63  }
0x7b: {  	_ =	swait.ge [sflag:s15], $0x5000  }
0x7c: {  	[sflag:s15] =	ssyncset.done $0x0  }
0x7d: {  	s1 =	rddreg [dreg:$0xd];
	[sflag:s15] =	ssyncadd.s32 $0xFFFFB000  }
0x7e: {  	[hbm4b:s1+s2] =	stream.linear.scatter [tilespmem:s9], [sflag:$0x6], $0x5000, $0x38;
	[tilespmem:$0x15900] =	vst v63  }
0x7f: {  	_ =	swait.ge [sflag:s5], $0x5000  }
0x80: {  	[sflag:s5] =	ssyncset.done $0x0  }
0x81: {  	[sflag:s5] =	ssyncadd.s32 $0xFFFFB000  }
0x82: {  	[tilespmem:s9], [sflag:$0x2] =	stream.indirect.gather [hbm4b:s10+s12], $0x40, s24, s12, $0xb8;
	[tilespmem:$0x15900] =	vst v63  }
0x83: {  	_ =	swait.ge [sflag:s14], $0x5000  }
0x84: {  	[sflag:s14] =	ssyncset.done $0x0  }
0x85: {  	s1 =	rddreg [dreg:$0xe];
	[sflag:s14] =	ssyncadd.s32 $0xFFFFB000  }
0x86: {  	[hbm4b:s1+s2] =	stream.linear.scatter [tilespmem:s6], [sflag:$0x7], $0x5000, $0x38;
	[tilespmem:$0x15900] =	vst v63  }
0x87: {  	_ =	swait.ge [sflag:s7], $0x5000  }
0x88: {  	[sflag:s7] =	ssyncset.done $0x0  }
0x89: {  	[sflag:s7] =	ssyncadd.s32 $0xFFFFB000  }
0x8a: {  	[tilespmem:s6], [sflag:$0x3] =	stream.indirect.gather [hbm4b:s10+s12], $0x40, s23, s12, $0xb8;
	[tilespmem:$0x15900] =	vst v63  }
0x8b: {  	_ =	swait.ge [sflag:s13], $0x5000  }
0x8c: {  	[sflag:s13] =	ssyncset.done $0x0  }
0x8d: {  	s1 =	rddreg [dreg:$0xf];
	[sflag:s13] =	ssyncadd.s32 $0xFFFFB000  }
0x8e: {  	[hbm4b:s1+s2] =	stream.linear.scatter [tilespmem:s3], [sflag:$0x8], $0x5000, $0x38;
	[tilespmem:$0x15900] =	vst v63  }
0x8f: {  	_ =	swait.ge [sflag:s8], $0x5000  }
0x90: {  	[sflag:s8] =	ssyncset.done $0x0  }
0x91: {  	[sflag:s8] =	ssyncadd.s32 $0xFFFFB000  }
0x92: {  	[tilespmem:s3], [sflag:$0x4] =	stream.indirect.gather [hbm4b:s10+s12], $0x40, s22, s12, $0xb8;
	[tilespmem:$0x15900] =	vst v63  }
0x93: {  	_ =	swait.ge [sflag:s16], $0x5000  }
0x94: {  	[sflag:s16] =	ssyncset.done $0x0  }
0x95: {  	s1 =	rddreg [dreg:$0x10];
	[sflag:s16] =	ssyncadd.s32 $0xFFFFB000  }
0x96: {  	[hbm4b:s1+s2] =	stream.linear.scatter [tilespmem:s11], [sflag:$0x5], $0x5000, $0x38;
	[tilespmem:$0x15900] =	vst v63  }
0x97: {  	_ =	swait.ge [sflag:s4], $0x5000  }
0x98: {  	[sflag:s4] =	ssyncset.done $0x0  }
0x99: {  	[sflag:s4] =	ssyncadd.s32 $0xFFFFB000  }
0x9a: {  	[tilespmem:s11], [sflag:$0x1] =	stream.indirect.gather [hbm4b:s10+s12], $0x40, s21, s12, $0xb8;
	[tilespmem:$0x15900] =	vst v63  }
0x9b: {  	_ =	swait.ge [sflag:s15], $0x5000  }
0x9c: {  	[sflag:s15] =	ssyncset.done $0x0  }
0x9d: {  	s1 =	rddreg [dreg:$0x11];
	[sflag:s15] =	ssyncadd.s32 $0xFFFFB000  }
0x9e: {  	[hbm4b:s1+s2] =	stream.linear.scatter [tilespmem:s9], [sflag:$0x6], $0x5000, $0x38;
	[tilespmem:$0x15900] =	vst v63  }
0x9f: {  	_ =	swait.ge [sflag:s5], $0x5000  }
0xa0: {  	[sflag:s5] =	ssyncset.done $0x0  }
0xa1: {  	[sflag:s5] =	ssyncadd.s32 $0xFFFFB000  }
0xa2: {  	[tilespmem:s9], [sflag:$0x2] =	stream.indirect.gather [hbm4b:s10+s12], $0x40, s20, s12, $0xb8;
	[tilespmem:$0x15900] =	vst v63  }
0xa3: {  	_ =	swait.ge [sflag:s14], $0x5000  }
0xa4: {  	[sflag:s14] =	ssyncset.done $0x0  }
0xa5: {  	s1 =	rddreg [dreg:$0x12];
	[sflag:s14] =	ssyncadd.s32 $0xFFFFB000  }
0xa6: {  	[hbm4b:s1+s2] =	stream.linear.scatter [tilespmem:s6], [sflag:$0x7], $0x5000, $0x38;
	[tilespmem:$0x15900] =	vst v63  }
0xa7: {  	_ =	swait.ge [sflag:s7], $0x5000  }
0xa8: {  	[sflag:s7] =	ssyncset.done $0x0  }
0xa9: {  	[sflag:s7] =	ssyncadd.s32 $0xFFFFB000  }
0xaa: {  	[tilespmem:s6], [sflag:$0x3] =	stream.indirect.gather [hbm4b:s10+s12], $0x40, s19, s12, $0xb8;
	[tilespmem:$0x15900] =	vst v63  }
0xab: {  	_ =	swait.ge [sflag:s13], $0x5000  }
0xac: {  	[sflag:s13] =	ssyncset.done $0x0  }
0xad: {  	s1 =	rddreg [dreg:$0x13];
	[sflag:s13] =	ssyncadd.s32 $0xFFFFB000  }
0xae: {  	[hbm4b:s1+s2] =	stream.linear.scatter [tilespmem:s3], [sflag:$0x8], $0x5000, $0x38;
	[tilespmem:$0x15900] =	vst v63  }
0xaf: {  	_ =	swait.ge [sflag:s8], $0x5000  }
0xb0: {  	[sflag:s8] =	ssyncset.done $0x0  }
0xb1: {  	[sflag:s8] =	ssyncadd.s32 $0xFFFFB000  }
0xb2: {  	[tilespmem:s3], [sflag:$0x4] =	stream.indirect.gather [hbm4b:s10+s12], $0x40, s18, s12, $0xb8;
	[tilespmem:$0x15900] =	vst v63  }
0xb3: {  	_ =	swait.ge [sflag:s16], $0x5000  }
0xb4: {  	[sflag:s16] =	ssyncset.done $0x0  }
0xb5: {  	s1 =	rddreg [dreg:$0x14];
	[sflag:s16] =	ssyncadd.s32 $0xFFFFB000  }
0xb6: {  	[hbm4b:s1+s2] =	stream.linear.scatter [tilespmem:s11], [sflag:$0x5], $0x5000, $0x38;
	[tilespmem:$0x15900] =	vst v63  }
0xb7: {  	_ =	swait.ge [sflag:s15], $0x5000  }
0xb8: {  	[sflag:s15] =	ssyncset.done $0x0  }
0xb9: {  	s1 =	rddreg [dreg:$0x15];
	[sflag:s15] =	ssyncadd.s32 $0xFFFFB000  }
0xba: {  	[hbm4b:s1+s2] =	stream.linear.scatter [tilespmem:s9], [sflag:$0x6], $0x5000, $0x38;
	[tilespmem:$0x15900] =	vst v63  }
0xbb: {  	_ =	swait.ge [sflag:s14], $0x5000  }
0xbc: {  	[sflag:s14] =	ssyncset.done $0x0  }
0xbd: {  	s1 =	rddreg [dreg:$0x16];
	[sflag:s14] =	ssyncadd.s32 $0xFFFFB000  }
0xbe: {  	[hbm4b:s1+s2] =	stream.linear.scatter [tilespmem:s6], [sflag:$0x7], $0x5000, $0x38;
	[tilespmem:$0x15900] =	vst v63  }
0xbf: {  	_ =	swait.ge [sflag:s13], $0x5000  }
0xc0: {  	[sflag:s13] =	ssyncset.done $0x0  }
0xc1: {  	s1 =	rddreg [dreg:$0x17];
	[sflag:s13] =	ssyncadd.s32 $0xFFFFB000  }
0xc2: {  	[hbm4b:s1+s2] =	stream.linear.scatter [tilespmem:s3], [sflag:$0x8], $0x5000, $0x38;
	[tilespmem:$0x15900] =	vst v63  }
0xc3: {  	_ =	swait.ge [sflag:s4], $0x5000  }
0xc4: {  	[sflag:s4] =	ssyncset.done $0x0  }
0xc5: {  	[sflag:s4] =	ssyncadd.s32 $0xFFFFB000  }
0xc6: {  	_ =	swait.ge [sflag:s5], $0x5000  }
0xc7: {  	[sflag:s5] =	ssyncset.done $0x0  }
0xc8: {  	p1 =	sne.s32 s17, $0x1;
	[sflag:s5] =	ssyncadd.s32 $0xFFFFB000  }
.Ltmp1:
0xc9: {  	_ =	swait.ge [sflag:s7], $0x5000;
	(pc) =	sbr.rel @!p1 .LBB2_3-.Ltmp1, $4  }
0xca: {  	[sflag:s7] =	ssyncset.done $0x0  }
0xcb: {  	[sflag:s7] =	ssyncadd.s32 $0xFFFFB000  }
0xcc: {  	p0 =	por $0x1, $0x1;
	_ =	swait.ge [sflag:s8], $0x5000  }
0xcd: {  	s1 =	sadd.s32 $0xFFFFFFFF, s17;
	s0 =	rddreg [dreg:$0x3];
	[sflag:s8] =	ssyncset.done $0x0  }
.LBB2_4:
0xce: {  	[sflag:s8] =	ssyncadd.s32 $0xFFFFB000  }
0xcf: {  	[tilespmem:s2], [sflag:$0x9] =	stream.linear.gather [hbm4b:s0+s2], $0x1900, $0x38;
	[tilespmem:$0x15900] =	vst v63  }
0xd0: {  	_ =	swait.ge [sflag:s31], $0x1900  }
0xd1: {  	[sflag:s31] =	ssyncset.done $0x0  }
0xd2: {  	[sflag:s31] =	ssyncadd.s32 $0xFFFFE700  }
0xd3: {  	[tilespmem:s11], [sflag:$0x1] =	stream.indirect.gather [hbm4b:s10+s12], $0x40, s2, s12, $0xb8;
	[tilespmem:$0x15900] =	vst v63  }
0xd4: {  	_ = 	snop  }
0xd5: {  	[tilespmem:s9], [sflag:$0x2] =	stream.indirect.gather [hbm4b:s10+s12], $0x40, s12, s12, $0xb8;
	[tilespmem:$0x15900] =	vst v63  }
0xd6: {  	s0 =	rddreg [dreg:$0x18]  }
0xd7: {  	[tilespmem:s6], [sflag:$0x3] =	stream.indirect.gather [hbm4b:s10+s12], $0x40, s0, s12, $0xb8;
	[tilespmem:$0x15900] =	vst v63  }
0xd8: {  	s17 =	rddreg [dreg:$0x19]  }
0xd9: {  	[tilespmem:s3], [sflag:$0x4] =	stream.indirect.gather [hbm4b:s10+s12], $0x40, s17, s12, $0xb8;
	[tilespmem:$0x15900] =	vst v63  }
0xda: {  	_ =	swait.ge [sflag:s16], $0x5000  }
0xdb: {  	[sflag:s16] =	ssyncset.done $0x0  }
0xdc: {  	s17 =	rddreg [dreg:$0x4];
	[sflag:s16] =	ssyncadd.s32 $0xFFFFB000  }
0xdd: {  	[hbm4b:s17+s2] =	stream.linear.scatter [tilespmem:s11], [sflag:$0x5], $0x5000, $0x38;
	[tilespmem:$0x15900] =	vst v63  }
0xde: {  	_ =	swait.ge [sflag:s4], $0x5000  }
0xdf: {  	[sflag:s4] =	ssyncset.done $0x0  }
0xe0: {  	s17 =	rddreg [dreg:$0x1a];
	[sflag:s4] =	ssyncadd.s32 $0xFFFFB000  }
0xe1: {  	[tilespmem:s11], [sflag:$0x1] =	stream.indirect.gather [hbm4b:s10+s12], $0x40, s17, s12, $0xb8;
	[tilespmem:$0x15900] =	vst v63  }
0xe2: {  	_ =	swait.ge [sflag:s15], $0x5000  }
0xe3: {  	[sflag:s15] =	ssyncset.done $0x0  }
0xe4: {  	s17 =	rddreg [dreg:$0x5];
	[sflag:s15] =	ssyncadd.s32 $0xFFFFB000  }
0xe5: {  	[hbm4b:s17+s2] =	stream.linear.scatter [tilespmem:s9], [sflag:$0x6], $0x5000, $0x38;
	[tilespmem:$0x15900] =	vst v63  }
0xe6: {  	_ =	swait.ge [sflag:s5], $0x5000  }
0xe7: {  	[sflag:s5] =	ssyncset.done $0x0  }
0xe8: {  	s17 =	rddreg [dreg:$0x1b];
	[sflag:s5] =	ssyncadd.s32 $0xFFFFB000  }
0xe9: {  	[tilespmem:s9], [sflag:$0x2] =	stream.indirect.gather [hbm4b:s10+s12], $0x40, s17, s12, $0xb8;
	[tilespmem:$0x15900] =	vst v63  }
0xea: {  	_ =	swait.ge [sflag:s14], $0x5000  }
0xeb: {  	[sflag:s14] =	ssyncset.done $0x0  }
0xec: {  	s17 =	rddreg [dreg:$0x6];
	[sflag:s14] =	ssyncadd.s32 $0xFFFFB000  }
0xed: {  	[hbm4b:s17+s2] =	stream.linear.scatter [tilespmem:s6], [sflag:$0x7], $0x5000, $0x38;
	[tilespmem:$0x15900] =	vst v63  }
0xee: {  	_ =	swait.ge [sflag:s7], $0x5000  }
0xef: {  	[sflag:s7] =	ssyncset.done $0x0  }
0xf0: {  	s17 =	rddreg [dreg:$0x1c];
	[sflag:s7] =	ssyncadd.s32 $0xFFFFB000  }
0xf1: {  	[tilespmem:s6], [sflag:$0x3] =	stream.indirect.gather [hbm4b:s10+s12], $0x40, s17, s12, $0xb8;
	[tilespmem:$0x15900] =	vst v63  }
0xf2: {  	_ =	swait.ge [sflag:s13], $0x5000  }
0xf3: {  	[sflag:s13] =	ssyncset.done $0x0  }
0xf4: {  	s17 =	rddreg [dreg:$0x7];
	[sflag:s13] =	ssyncadd.s32 $0xFFFFB000  }
0xf5: {  	[hbm4b:s17+s2] =	stream.linear.scatter [tilespmem:s3], [sflag:$0x8], $0x5000, $0x38;
	[tilespmem:$0x15900] =	vst v63  }
0xf6: {  	_ =	swait.ge [sflag:s8], $0x5000  }
0xf7: {  	[sflag:s8] =	ssyncset.done $0x0  }
0xf8: {  	s17 =	simm.s32 $0x8C0;
	[sflag:s8] =	ssyncadd.s32 $0xFFFFB000  }
0xf9: {  	[tilespmem:s3], [sflag:$0x4] =	stream.indirect.gather [hbm4b:s10+s12], $0x40, s17, s12, $0xb8;
	[tilespmem:$0x15900] =	vst v63  }
0xfa: {  	_ =	swait.ge [sflag:s16], $0x5000  }
0xfb: {  	[sflag:s16] =	ssyncset.done $0x0  }
0xfc: {  	s17 =	rddreg [dreg:$0x8];
	[sflag:s16] =	ssyncadd.s32 $0xFFFFB000  }
0xfd: {  	[hbm4b:s17+s2] =	stream.linear.scatter [tilespmem:s11], [sflag:$0x5], $0x5000, $0x38;
	[tilespmem:$0x15900] =	vst v63  }
0xfe: {  	_ =	swait.ge [sflag:s4], $0x5000  }
0xff: {  	[sflag:s4] =	ssyncset.done $0x0  }
0x100: {  	[sflag:s4] =	ssyncadd.s32 $0xFFFFB000  }
0x101: {  	[tilespmem:s11], [sflag:$0x1] =	stream.indirect.gather [hbm4b:s10+s12], $0x40, s30, s12, $0xb8;
	[tilespmem:$0x15900] =	vst v63  }
0x102: {  	_ =	swait.ge [sflag:s15], $0x5000  }
0x103: {  	[sflag:s15] =	ssyncset.done $0x0  }
0x104: {  	s17 =	rddreg [dreg:$0x9];
	[sflag:s15] =	ssyncadd.s32 $0xFFFFB000  }
0x105: {  	[hbm4b:s17+s2] =	stream.linear.scatter [tilespmem:s9], [sflag:$0x6], $0x5000, $0x38;
	[tilespmem:$0x15900] =	vst v63  }
0x106: {  	_ =	swait.ge [sflag:s5], $0x5000  }
0x107: {  	[sflag:s5] =	ssyncset.done $0x0  }
0x108: {  	[sflag:s5] =	ssyncadd.s32 $0xFFFFB000  }
0x109: {  	[tilespmem:s9], [sflag:$0x2] =	stream.indirect.gather [hbm4b:s10+s12], $0x40, s29, s12, $0xb8;
	[tilespmem:$0x15900] =	vst v63  }
0x10a: {  	_ =	swait.ge [sflag:s14], $0x5000  }
0x10b: {  	[sflag:s14] =	ssyncset.done $0x0  }
0x10c: {  	s17 =	rddreg [dreg:$0xa];
	[sflag:s14] =	ssyncadd.s32 $0xFFFFB000  }
0x10d: {  	[hbm4b:s17+s2] =	stream.linear.scatter [tilespmem:s6], [sflag:$0x7], $0x5000, $0x38;
	[tilespmem:$0x15900] =	vst v63  }
0x10e: {  	_ =	swait.ge [sflag:s7], $0x5000  }
0x10f: {  	[sflag:s7] =	ssyncset.done $0x0  }
0x110: {  	[sflag:s7] =	ssyncadd.s32 $0xFFFFB000  }
0x111: {  	[tilespmem:s6], [sflag:$0x3] =	stream.indirect.gather [hbm4b:s10+s12], $0x40, s28, s12, $0xb8;
	[tilespmem:$0x15900] =	vst v63  }
0x112: {  	_ =	swait.ge [sflag:s13], $0x5000  }
0x113: {  	[sflag:s13] =	ssyncset.done $0x0  }
0x114: {  	s17 =	rddreg [dreg:$0xb];
	[sflag:s13] =	ssyncadd.s32 $0xFFFFB000  }
0x115: {  	[hbm4b:s17+s2] =	stream.linear.scatter [tilespmem:s3], [sflag:$0x8], $0x5000, $0x38;
	[tilespmem:$0x15900] =	vst v63  }
0x116: {  	_ =	swait.ge [sflag:s8], $0x5000  }
0x117: {  	[sflag:s8] =	ssyncset.done $0x0  }
0x118: {  	[sflag:s8] =	ssyncadd.s32 $0xFFFFB000  }
0x119: {  	[tilespmem:s3], [sflag:$0x4] =	stream.indirect.gather [hbm4b:s10+s12], $0x40, s26, s12, $0xb8;
	[tilespmem:$0x15900] =	vst v63  }
0x11a: {  	_ =	swait.ge [sflag:s16], $0x5000  }
0x11b: {  	[sflag:s16] =	ssyncset.done $0x0  }
0x11c: {  	s17 =	rddreg [dreg:$0xc];
	[sflag:s16] =	ssyncadd.s32 $0xFFFFB000  }
0x11d: {  	[hbm4b:s17+s2] =	stream.linear.scatter [tilespmem:s11], [sflag:$0x5], $0x5000, $0x38;
	[tilespmem:$0x15900] =	vst v63  }
0x11e: {  	_ =	swait.ge [sflag:s4], $0x5000  }
0x11f: {  	[sflag:s4] =	ssyncset.done $0x0  }
0x120: {  	[sflag:s4] =	ssyncadd.s32 $0xFFFFB000  }
0x121: {  	[tilespmem:s11], [sflag:$0x1] =	stream.indirect.gather [hbm4b:s10+s12], $0x40, s25, s12, $0xb8;
	[tilespmem:$0x15900] =	vst v63  }
0x122: {  	_ =	swait.ge [sflag:s15], $0x5000  }
0x123: {  	[sflag:s15] =	ssyncset.done $0x0  }
0x124: {  	s17 =	rddreg [dreg:$0xd];
	[sflag:s15] =	ssyncadd.s32 $0xFFFFB000  }
0x125: {  	[hbm4b:s17+s2] =	stream.linear.scatter [tilespmem:s9], [sflag:$0x6], $0x5000, $0x38;
	[tilespmem:$0x15900] =	vst v63  }
0x126: {  	_ =	swait.ge [sflag:s5], $0x5000  }
0x127: {  	[sflag:s5] =	ssyncset.done $0x0  }
0x128: {  	[sflag:s5] =	ssyncadd.s32 $0xFFFFB000  }
0x129: {  	[tilespmem:s9], [sflag:$0x2] =	stream.indirect.gather [hbm4b:s10+s12], $0x40, s24, s12, $0xb8;
	[tilespmem:$0x15900] =	vst v63  }
0x12a: {  	_ =	swait.ge [sflag:s14], $0x5000  }
0x12b: {  	[sflag:s14] =	ssyncset.done $0x0  }
0x12c: {  	s17 =	rddreg [dreg:$0xe];
	[sflag:s14] =	ssyncadd.s32 $0xFFFFB000  }
0x12d: {  	[hbm4b:s17+s2] =	stream.linear.scatter [tilespmem:s6], [sflag:$0x7], $0x5000, $0x38;
	[tilespmem:$0x15900] =	vst v63  }
0x12e: {  	_ =	swait.ge [sflag:s7], $0x5000  }
0x12f: {  	[sflag:s7] =	ssyncset.done $0x0  }
0x130: {  	[sflag:s7] =	ssyncadd.s32 $0xFFFFB000  }
0x131: {  	[tilespmem:s6], [sflag:$0x3] =	stream.indirect.gather [hbm4b:s10+s12], $0x40, s23, s12, $0xb8;
	[tilespmem:$0x15900] =	vst v63  }
0x132: {  	_ =	swait.ge [sflag:s13], $0x5000  }
0x133: {  	[sflag:s13] =	ssyncset.done $0x0  }
0x134: {  	s17 =	rddreg [dreg:$0xf];
	[sflag:s13] =	ssyncadd.s32 $0xFFFFB000  }
0x135: {  	[hbm4b:s17+s2] =	stream.linear.scatter [tilespmem:s3], [sflag:$0x8], $0x5000, $0x38;
	[tilespmem:$0x15900] =	vst v63  }
0x136: {  	_ =	swait.ge [sflag:s8], $0x5000  }
0x137: {  	[sflag:s8] =	ssyncset.done $0x0  }
0x138: {  	[sflag:s8] =	ssyncadd.s32 $0xFFFFB000  }
0x139: {  	[tilespmem:s3], [sflag:$0x4] =	stream.indirect.gather [hbm4b:s10+s12], $0x40, s22, s12, $0xb8;
	[tilespmem:$0x15900] =	vst v63  }
0x13a: {  	_ =	swait.ge [sflag:s16], $0x5000  }
0x13b: {  	[sflag:s16] =	ssyncset.done $0x0  }
0x13c: {  	s17 =	rddreg [dreg:$0x10];
	[sflag:s16] =	ssyncadd.s32 $0xFFFFB000  }
0x13d: {  	[hbm4b:s17+s2] =	stream.linear.scatter [tilespmem:s11], [sflag:$0x5], $0x5000, $0x38;
	[tilespmem:$0x15900] =	vst v63  }
0x13e: {  	_ =	swait.ge [sflag:s4], $0x5000  }
0x13f: {  	[sflag:s4] =	ssyncset.done $0x0  }
0x140: {  	[sflag:s4] =	ssyncadd.s32 $0xFFFFB000  }
0x141: {  	[tilespmem:s11], [sflag:$0x1] =	stream.indirect.gather [hbm4b:s10+s12], $0x40, s21, s12, $0xb8;
	[tilespmem:$0x15900] =	vst v63  }
0x142: {  	_ =	swait.ge [sflag:s15], $0x5000  }
0x143: {  	[sflag:s15] =	ssyncset.done $0x0  }
0x144: {  	s17 =	rddreg [dreg:$0x11];
	[sflag:s15] =	ssyncadd.s32 $0xFFFFB000  }
0x145: {  	[hbm4b:s17+s2] =	stream.linear.scatter [tilespmem:s9], [sflag:$0x6], $0x5000, $0x38;
	[tilespmem:$0x15900] =	vst v63  }
0x146: {  	_ =	swait.ge [sflag:s5], $0x5000  }
0x147: {  	[sflag:s5] =	ssyncset.done $0x0  }
0x148: {  	[sflag:s5] =	ssyncadd.s32 $0xFFFFB000  }
0x149: {  	[tilespmem:s9], [sflag:$0x2] =	stream.indirect.gather [hbm4b:s10+s12], $0x40, s20, s12, $0xb8;
	[tilespmem:$0x15900] =	vst v63  }
0x14a: {  	_ =	swait.ge [sflag:s14], $0x5000  }
0x14b: {  	[sflag:s14] =	ssyncset.done $0x0  }
0x14c: {  	s17 =	rddreg [dreg:$0x12];
	[sflag:s14] =	ssyncadd.s32 $0xFFFFB000  }
0x14d: {  	[hbm4b:s17+s2] =	stream.linear.scatter [tilespmem:s6], [sflag:$0x7], $0x5000, $0x38;
	[tilespmem:$0x15900] =	vst v63  }
0x14e: {  	_ =	swait.ge [sflag:s7], $0x5000  }
0x14f: {  	[sflag:s7] =	ssyncset.done $0x0  }
0x150: {  	[sflag:s7] =	ssyncadd.s32 $0xFFFFB000  }
0x151: {  	[tilespmem:s6], [sflag:$0x3] =	stream.indirect.gather [hbm4b:s10+s12], $0x40, s19, s12, $0xb8;
	[tilespmem:$0x15900] =	vst v63  }
0x152: {  	_ =	swait.ge [sflag:s13], $0x5000  }
0x153: {  	[sflag:s13] =	ssyncset.done $0x0  }
0x154: {  	s17 =	rddreg [dreg:$0x13];
	[sflag:s13] =	ssyncadd.s32 $0xFFFFB000  }
0x155: {  	[hbm4b:s17+s2] =	stream.linear.scatter [tilespmem:s3], [sflag:$0x8], $0x5000, $0x38;
	[tilespmem:$0x15900] =	vst v63  }
0x156: {  	_ =	swait.ge [sflag:s8], $0x5000  }
0x157: {  	[sflag:s8] =	ssyncset.done $0x0  }
0x158: {  	[sflag:s8] =	ssyncadd.s32 $0xFFFFB000  }
0x159: {  	[tilespmem:s3], [sflag:$0x4] =	stream.indirect.gather [hbm4b:s10+s12], $0x40, s18, s12, $0xb8;
	[tilespmem:$0x15900] =	vst v63  }
0x15a: {  	_ =	swait.ge [sflag:s16], $0x5000  }
0x15b: {  	[sflag:s16] =	ssyncset.done $0x0  }
0x15c: {  	s17 =	rddreg [dreg:$0x14];
	[sflag:s16] =	ssyncadd.s32 $0xFFFFB000  }
0x15d: {  	[hbm4b:s17+s2] =	stream.linear.scatter [tilespmem:s11], [sflag:$0x5], $0x5000, $0x38;
	[tilespmem:$0x15900] =	vst v63  }
0x15e: {  	_ =	swait.ge [sflag:s15], $0x5000  }
0x15f: {  	[sflag:s15] =	ssyncset.done $0x0  }
0x160: {  	s17 =	rddreg [dreg:$0x15];
	[sflag:s15] =	ssyncadd.s32 $0xFFFFB000  }
0x161: {  	[hbm4b:s17+s2] =	stream.linear.scatter [tilespmem:s9], [sflag:$0x6], $0x5000, $0x38;
	[tilespmem:$0x15900] =	vst v63  }
0x162: {  	_ =	swait.ge [sflag:s14], $0x5000  }
0x163: {  	[sflag:s14] =	ssyncset.done $0x0  }
0x164: {  	s17 =	rddreg [dreg:$0x16];
	[sflag:s14] =	ssyncadd.s32 $0xFFFFB000  }
0x165: {  	[hbm4b:s17+s2] =	stream.linear.scatter [tilespmem:s6], [sflag:$0x7], $0x5000, $0x38;
	[tilespmem:$0x15900] =	vst v63  }
0x166: {  	_ =	swait.ge [sflag:s13], $0x5000  }
0x167: {  	[sflag:s13] =	ssyncset.done $0x0  }
0x168: {  	s17 =	rddreg [dreg:$0x17];
	[sflag:s13] =	ssyncadd.s32 $0xFFFFB000  }
0x169: {  	[hbm4b:s17+s2] =	stream.linear.scatter [tilespmem:s3], [sflag:$0x8], $0x5000, $0x38;
	[tilespmem:$0x15900] =	vst v63  }
0x16a: {  	_ =	swait.ge [sflag:s4], $0x5000  }
0x16b: {  	[sflag:s4] =	ssyncset.done $0x0  }
0x16c: {  	[sflag:s4] =	ssyncadd.s32 $0xFFFFB000  }
0x16d: {  	_ =	swait.ge [sflag:s5], $0x5000  }
0x16e: {  	[sflag:s5] =	ssyncset.done $0x0  }
0x16f: {  	p1 =	sne.s32 s1, $0x1;
	[sflag:s5] =	ssyncadd.s32 $0xFFFFB000  }
.Ltmp2:
0x170: {  	_ =	swait.ge [sflag:s7], $0x5000;
	(pc) =	sbr.rel @p1 .LBB2_4-.Ltmp2, $4  }
0x171: {  	[sflag:s7] =	ssyncset.done $0x0  }
0x172: {  	[sflag:s7] =	ssyncadd.s32 $0xFFFFB000  }
0x173: {  	_ =	swait.ge [sflag:s8], $0x5000  }
0x174: {  	s1 =	sadd.s32 $0xFFFFFFFF, s1;
	s0 =	rddreg [dreg:$0x3];
	[sflag:s8] =	ssyncset.done $0x0  }
0x175: {  	s18 =	simm.s32 $0x8C0  }
0x176: {  	s30 =	simm.s32 $0xA00;
	s29 =	simm.s32 $0xB40;
	s28 =	simm.s32 $0xC80  }
0x177: {  	s26 =	simm.s32 $0xDC0;
	s25 =	simm.s32 $0xF00;
	s24 =	simm.s32 $0x1040  }
0x178: {  	s23 =	simm.s32 $0x1180;
	s22 =	simm.s32 $0x12C0;
	s21 =	simm.s32 $0x1400  }
0x179: {  	s20 =	simm.s32 $0x1540;
	s19 =	simm.s32 $0x1680;
	s17 =	stileid.u32  }
.LBB2_6:
0x17a: {  	[sflag:s8] =	ssyncadd.s32 @p0 $0xFFFFB000  }
0x17b: {  	[tilespmem:s2], [sflag:$0x9] =	stream.linear.gather [hbm4b:s0+s2], $0x1900, $0x38;
	[tilespmem:$0x15900] =	vst v63  }
0x17c: {  	_ =	swait.ge [sflag:s31], $0x1900  }
0x17d: {  	[sflag:s31] =	ssyncset.done $0x0  }
0x17e: {  	[sflag:s31] =	ssyncadd.s32 $0xFFFFE700  }
0x17f: {  	[tilespmem:s11], [sflag:$0x1] =	stream.indirect.gather [hbm4b:s10+s12], $0x40, s2, s12, $0xb8;
	[tilespmem:$0x15900] =	vst v63  }
0x180: {  	_ = 	snop  }
0x181: {  	[tilespmem:s9], [sflag:$0x2] =	stream.indirect.gather [hbm4b:s10+s12], $0x40, s12, s12, $0xb8;
	[tilespmem:$0x15900] =	vst v63  }
0x182: {  	s31 =	rddreg [dreg:$0x18]  }
0x183: {  	[tilespmem:s6], [sflag:$0x3] =	stream.indirect.gather [hbm4b:s10+s12], $0x40, s31, s12, $0xb8;
	[tilespmem:$0x15900] =	vst v63  }
0x184: {  	s1 =	rddreg [dreg:$0x19]  }
0x185: {  	[tilespmem:s3], [sflag:$0x4] =	stream.indirect.gather [hbm4b:s10+s12], $0x40, s1, s12, $0xb8;
	[tilespmem:$0x15900] =	vst v63  }
0x186: {  	_ =	swait.ge [sflag:s16], $0x5000  }
0x187: {  	[sflag:s16] =	ssyncset.done $0x0  }
0x188: {  	s1 =	rddreg [dreg:$0x4];
	[sflag:s16] =	ssyncadd.s32 $0xFFFFB000  }
0x189: {  	[hbm4b:s1+s2] =	stream.linear.scatter [tilespmem:s11], [sflag:$0x5], $0x5000, $0x38;
	[tilespmem:$0x15900] =	vst v63  }
0x18a: {  	_ =	swait.ge [sflag:s4], $0x5000  }
0x18b: {  	[sflag:s4] =	ssyncset.done $0x0  }
0x18c: {  	s31 =	rddreg [dreg:$0x1a];
	[sflag:s4] =	ssyncadd.s32 $0xFFFFB000  }
0x18d: {  	[tilespmem:s11], [sflag:$0x1] =	stream.indirect.gather [hbm4b:s10+s12], $0x40, s31, s12, $0xb8;
	[tilespmem:$0x15900] =	vst v63  }
0x18e: {  	_ =	swait.ge [sflag:s15], $0x5000  }
0x18f: {  	[sflag:s15] =	ssyncset.done $0x0  }
0x190: {  	s1 =	rddreg [dreg:$0x5];
	[sflag:s15] =	ssyncadd.s32 $0xFFFFB000  }
0x191: {  	[hbm4b:s1+s2] =	stream.linear.scatter [tilespmem:s9], [sflag:$0x6], $0x5000, $0x38;
	[tilespmem:$0x15900] =	vst v63  }
0x192: {  	_ =	swait.ge [sflag:s5], $0x5000  }
0x193: {  	[sflag:s5] =	ssyncset.done $0x0  }
0x194: {  	s31 =	rddreg [dreg:$0x1b];
	[sflag:s5] =	ssyncadd.s32 $0xFFFFB000  }
0x195: {  	[tilespmem:s9], [sflag:$0x2] =	stream.indirect.gather [hbm4b:s10+s12], $0x40, s31, s12, $0xb8;
	[tilespmem:$0x15900] =	vst v63  }
0x196: {  	_ =	swait.ge [sflag:s14], $0x5000  }
0x197: {  	[sflag:s14] =	ssyncset.done $0x0  }
0x198: {  	s1 =	rddreg [dreg:$0x6];
	[sflag:s14] =	ssyncadd.s32 $0xFFFFB000  }
0x199: {  	[hbm4b:s1+s2] =	stream.linear.scatter [tilespmem:s6], [sflag:$0x7], $0x5000, $0x38;
	[tilespmem:$0x15900] =	vst v63  }
0x19a: {  	_ =	swait.ge [sflag:s7], $0x5000  }
0x19b: {  	[sflag:s7] =	ssyncset.done $0x0  }
0x19c: {  	s31 =	rddreg [dreg:$0x1c];
	[sflag:s7] =	ssyncadd.s32 $0xFFFFB000  }
0x19d: {  	[tilespmem:s6], [sflag:$0x3] =	stream.indirect.gather [hbm4b:s10+s12], $0x40, s31, s12, $0xb8;
	[tilespmem:$0x15900] =	vst v63  }
0x19e: {  	_ =	swait.ge [sflag:s13], $0x5000  }
0x19f: {  	[sflag:s13] =	ssyncset.done $0x0  }
0x1a0: {  	s1 =	rddreg [dreg:$0x7];
	[sflag:s13] =	ssyncadd.s32 $0xFFFFB000  }
0x1a1: {  	[hbm4b:s1+s2] =	stream.linear.scatter [tilespmem:s3], [sflag:$0x8], $0x5000, $0x38;
	[tilespmem:$0x15900] =	vst v63  }
0x1a2: {  	_ =	swait.ge [sflag:s8], $0x5000  }
0x1a3: {  	[sflag:s8] =	ssyncset.done $0x0  }
0x1a4: {  	[sflag:s8] =	ssyncadd.s32 $0xFFFFB000  }
0x1a5: {  	[tilespmem:s3], [sflag:$0x4] =	stream.indirect.gather [hbm4b:s10+s12], $0x40, s18, s12, $0xb8;
	[tilespmem:$0x15900] =	vst v63  }
0x1a6: {  	_ =	swait.ge [sflag:s16], $0x5000  }
0x1a7: {  	[sflag:s16] =	ssyncset.done $0x0  }
0x1a8: {  	s31 =	rddreg [dreg:$0x8];
	[sflag:s16] =	ssyncadd.s32 $0xFFFFB000  }
0x1a9: {  	[hbm4b:s31+s2] =	stream.linear.scatter [tilespmem:s11], [sflag:$0x5], $0x5000, $0x38;
	[tilespmem:$0x15900] =	vst v63  }
0x1aa: {  	_ =	swait.ge [sflag:s4], $0x5000  }
0x1ab: {  	[sflag:s4] =	ssyncset.done $0x0  }
0x1ac: {  	[sflag:s4] =	ssyncadd.s32 $0xFFFFB000  }
0x1ad: {  	[tilespmem:s11], [sflag:$0x1] =	stream.indirect.gather [hbm4b:s10+s12], $0x40, s30, s12, $0xb8;
	[tilespmem:$0x15900] =	vst v63  }
0x1ae: {  	_ =	swait.ge [sflag:s15], $0x5000  }
0x1af: {  	[sflag:s15] =	ssyncset.done $0x0  }
0x1b0: {  	s1 =	rddreg [dreg:$0x9];
	[sflag:s15] =	ssyncadd.s32 $0xFFFFB000  }
0x1b1: {  	[hbm4b:s1+s2] =	stream.linear.scatter [tilespmem:s9], [sflag:$0x6], $0x5000, $0x38;
	[tilespmem:$0x15900] =	vst v63  }
0x1b2: {  	_ =	swait.ge [sflag:s5], $0x5000  }
0x1b3: {  	[sflag:s5] =	ssyncset.done $0x0  }
0x1b4: {  	[sflag:s5] =	ssyncadd.s32 $0xFFFFB000  }
0x1b5: {  	[tilespmem:s9], [sflag:$0x2] =	stream.indirect.gather [hbm4b:s10+s12], $0x40, s29, s12, $0xb8;
	[tilespmem:$0x15900] =	vst v63  }
0x1b6: {  	_ =	swait.ge [sflag:s14], $0x5000  }
0x1b7: {  	[sflag:s14] =	ssyncset.done $0x0  }
0x1b8: {  	s18 =	rddreg [dreg:$0xa];
	[sflag:s14] =	ssyncadd.s32 $0xFFFFB000  }
0x1b9: {  	[hbm4b:s18+s2] =	stream.linear.scatter [tilespmem:s6], [sflag:$0x7], $0x5000, $0x38;
	[tilespmem:$0x15900] =	vst v63  }
0x1ba: {  	_ =	swait.ge [sflag:s7], $0x5000  }
0x1bb: {  	[sflag:s7] =	ssyncset.done $0x0  }
0x1bc: {  	[sflag:s7] =	ssyncadd.s32 $0xFFFFB000  }
0x1bd: {  	[tilespmem:s6], [sflag:$0x3] =	stream.indirect.gather [hbm4b:s10+s12], $0x40, s28, s12, $0xb8;
	[tilespmem:$0x15900] =	vst v63  }
0x1be: {  	_ =	swait.ge [sflag:s13], $0x5000  }
0x1bf: {  	[sflag:s13] =	ssyncset.done $0x0  }
0x1c0: {  	s29 =	rddreg [dreg:$0xb];
	[sflag:s13] =	ssyncadd.s32 $0xFFFFB000  }
0x1c1: {  	[hbm4b:s29+s2] =	stream.linear.scatter [tilespmem:s3], [sflag:$0x8], $0x5000, $0x38;
	[tilespmem:$0x15900] =	vst v63  }
0x1c2: {  	_ =	swait.ge [sflag:s8], $0x5000  }
0x1c3: {  	[sflag:s8] =	ssyncset.done $0x0  }
0x1c4: {  	[sflag:s8] =	ssyncadd.s32 $0xFFFFB000  }
0x1c5: {  	[tilespmem:s3], [sflag:$0x4] =	stream.indirect.gather [hbm4b:s10+s12], $0x40, s26, s12, $0xb8;
	[tilespmem:$0x15900] =	vst v63  }
0x1c6: {  	_ =	swait.ge [sflag:s16], $0x5000  }
0x1c7: {  	[sflag:s16] =	ssyncset.done $0x0  }
0x1c8: {  	s30 =	rddreg [dreg:$0xc];
	[sflag:s16] =	ssyncadd.s32 $0xFFFFB000  }
0x1c9: {  	[hbm4b:s30+s2] =	stream.linear.scatter [tilespmem:s11], [sflag:$0x5], $0x5000, $0x38;
	[tilespmem:$0x15900] =	vst v63  }
0x1ca: {  	_ =	swait.ge [sflag:s4], $0x5000  }
0x1cb: {  	[sflag:s4] =	ssyncset.done $0x0  }
0x1cc: {  	[sflag:s4] =	ssyncadd.s32 $0xFFFFB000  }
0x1cd: {  	[tilespmem:s11], [sflag:$0x1] =	stream.indirect.gather [hbm4b:s10+s12], $0x40, s25, s12, $0xb8;
	[tilespmem:$0x15900] =	vst v63  }
0x1ce: {  	_ =	swait.ge [sflag:s15], $0x5000  }
0x1cf: {  	[sflag:s15] =	ssyncset.done $0x0  }
0x1d0: {  	s31 =	rddreg [dreg:$0xd];
	[sflag:s15] =	ssyncadd.s32 $0xFFFFB000  }
0x1d1: {  	[hbm4b:s31+s2] =	stream.linear.scatter [tilespmem:s9], [sflag:$0x6], $0x5000, $0x38;
	[tilespmem:$0x15900] =	vst v63  }
0x1d2: {  	_ =	swait.ge [sflag:s5], $0x5000  }
0x1d3: {  	[sflag:s5] =	ssyncset.done $0x0  }
0x1d4: {  	[sflag:s5] =	ssyncadd.s32 $0xFFFFB000  }
0x1d5: {  	[tilespmem:s9], [sflag:$0x2] =	stream.indirect.gather [hbm4b:s10+s12], $0x40, s24, s12, $0xb8;
	[tilespmem:$0x15900] =	vst v63  }
0x1d6: {  	_ =	swait.ge [sflag:s14], $0x5000  }
0x1d7: {  	[sflag:s14] =	ssyncset.done $0x0  }
0x1d8: {  	s1 =	rddreg [dreg:$0xe];
	[sflag:s14] =	ssyncadd.s32 $0xFFFFB000  }
0x1d9: {  	[hbm4b:s1+s2] =	stream.linear.scatter [tilespmem:s6], [sflag:$0x7], $0x5000, $0x38;
	[tilespmem:$0x15900] =	vst v63  }
0x1da: {  	_ =	swait.ge [sflag:s7], $0x5000  }
0x1db: {  	[sflag:s7] =	ssyncset.done $0x0  }
0x1dc: {  	[sflag:s7] =	ssyncadd.s32 $0xFFFFB000  }
0x1dd: {  	[tilespmem:s6], [sflag:$0x3] =	stream.indirect.gather [hbm4b:s10+s12], $0x40, s23, s12, $0xb8;
	[tilespmem:$0x15900] =	vst v63  }
0x1de: {  	_ =	swait.ge [sflag:s13], $0x5000  }
0x1df: {  	[sflag:s13] =	ssyncset.done $0x0  }
0x1e0: {  	s18 =	rddreg [dreg:$0xf];
	[sflag:s13] =	ssyncadd.s32 $0xFFFFB000  }
0x1e1: {  	[hbm4b:s18+s2] =	stream.linear.scatter [tilespmem:s3], [sflag:$0x8], $0x5000, $0x38;
	[tilespmem:$0x15900] =	vst v63  }
0x1e2: {  	_ =	swait.ge [sflag:s8], $0x5000  }
0x1e3: {  	[sflag:s8] =	ssyncset.done $0x0  }
0x1e4: {  	[sflag:s8] =	ssyncadd.s32 $0xFFFFB000  }
0x1e5: {  	[tilespmem:s3], [sflag:$0x4] =	stream.indirect.gather [hbm4b:s10+s12], $0x40, s22, s12, $0xb8;
	[tilespmem:$0x15900] =	vst v63  }
0x1e6: {  	_ =	swait.ge [sflag:s16], $0x5000  }
0x1e7: {  	[sflag:s16] =	ssyncset.done $0x0  }
0x1e8: {  	s22 =	rddreg [dreg:$0x10];
	[sflag:s16] =	ssyncadd.s32 $0xFFFFB000  }
0x1e9: {  	[hbm4b:s22+s2] =	stream.linear.scatter [tilespmem:s11], [sflag:$0x5], $0x5000, $0x38;
	[tilespmem:$0x15900] =	vst v63  }
0x1ea: {  	_ =	swait.ge [sflag:s4], $0x5000  }
0x1eb: {  	[sflag:s4] =	ssyncset.done $0x0  }
0x1ec: {  	[sflag:s4] =	ssyncadd.s32 $0xFFFFB000  }
0x1ed: {  	[tilespmem:s11], [sflag:$0x1] =	stream.indirect.gather [hbm4b:s10+s12], $0x40, s21, s12, $0xb8;
	[tilespmem:$0x15900] =	vst v63  }
0x1ee: {  	_ =	swait.ge [sflag:s15], $0x5000  }
0x1ef: {  	[sflag:s15] =	ssyncset.done $0x0  }
0x1f0: {  	s23 =	rddreg [dreg:$0x11];
	[sflag:s15] =	ssyncadd.s32 $0xFFFFB000  }
0x1f1: {  	[hbm4b:s23+s2] =	stream.linear.scatter [tilespmem:s9], [sflag:$0x6], $0x5000, $0x38;
	[tilespmem:$0x15900] =	vst v63  }
0x1f2: {  	_ =	swait.ge [sflag:s5], $0x5000  }
0x1f3: {  	[sflag:s5] =	ssyncset.done $0x0  }
0x1f4: {  	[sflag:s5] =	ssyncadd.s32 $0xFFFFB000  }
0x1f5: {  	[tilespmem:s9], [sflag:$0x2] =	stream.indirect.gather [hbm4b:s10+s12], $0x40, s20, s12, $0xb8;
	[tilespmem:$0x15900] =	vst v63  }
0x1f6: {  	_ =	swait.ge [sflag:s14], $0x5000  }
0x1f7: {  	[sflag:s14] =	ssyncset.done $0x0  }
0x1f8: {  	s24 =	rddreg [dreg:$0x12];
	[sflag:s14] =	ssyncadd.s32 $0xFFFFB000  }
0x1f9: {  	[hbm4b:s24+s2] =	stream.linear.scatter [tilespmem:s6], [sflag:$0x7], $0x5000, $0x38;
	[tilespmem:$0x15900] =	vst v63  }
0x1fa: {  	_ =	swait.ge [sflag:s7], $0x5000  }
0x1fb: {  	[sflag:s7] =	ssyncset.done $0x0  }
0x1fc: {  	[sflag:s7] =	ssyncadd.s32 $0xFFFFB000  }
0x1fd: {  	[tilespmem:s6], [sflag:$0x3] =	stream.indirect.gather [hbm4b:s10+s12], $0x40, s19, s12, $0xb8;
	[tilespmem:$0x15900] =	vst v63  }
0x1fe: {  	_ =	swait.ge [sflag:s13], $0x5000  }
0x1ff: {  	[sflag:s13] =	ssyncset.done $0x0  }
0x200: {  	s25 =	rddreg [dreg:$0x13];
	[sflag:s13] =	ssyncadd.s32 $0xFFFFB000  }
0x201: {  	[hbm4b:s25+s2] =	stream.linear.scatter [tilespmem:s3], [sflag:$0x8], $0x5000, $0x38;
	[tilespmem:$0x15900] =	vst v63  }
0x202: {  	_ =	swait.ge [sflag:s8], $0x5000  }
0x203: {  	[sflag:s8] =	ssyncset.done $0x0  }
0x204: {  	s26 =	simm.s32 $0x17C0;
	[sflag:s8] =	ssyncadd.s32 $0xFFFFB000  }
0x205: {  	[tilespmem:s3], [sflag:$0x4] =	stream.indirect.gather [hbm4b:s10+s12], $0x40, s26, s12, $0xb8;
	[tilespmem:$0x15900] =	vst v63  }
0x206: {  	_ =	swait.ge [sflag:s16], $0x5000  }
0x207: {  	[sflag:s16] =	ssyncset.done $0x0  }
0x208: {  	s28 =	rddreg [dreg:$0x14];
	[sflag:s16] =	ssyncadd.s32 $0xFFFFB000  }
0x209: {  	[hbm4b:s28+s2] =	stream.linear.scatter [tilespmem:s11], [sflag:$0x5], $0x5000, $0x38;
	[tilespmem:$0x15900] =	vst v63  }
0x20a: {  	_ =	swait.ge [sflag:s15], $0x5000  }
0x20b: {  	[sflag:s15] =	ssyncset.done $0x0  }
0x20c: {  	s29 =	rddreg [dreg:$0x15];
	[sflag:s15] =	ssyncadd.s32 $0xFFFFB000  }
0x20d: {  	[hbm4b:s29+s2] =	stream.linear.scatter [tilespmem:s9], [sflag:$0x6], $0x5000, $0x38;
	[tilespmem:$0x15900] =	vst v63  }
0x20e: {  	_ =	swait.ge [sflag:s14], $0x5000  }
0x20f: {  	[sflag:s14] =	ssyncset.done $0x0  }
0x210: {  	s30 =	rddreg [dreg:$0x16];
	[sflag:s14] =	ssyncadd.s32 $0xFFFFB000  }
0x211: {  	[hbm4b:s30+s2] =	stream.linear.scatter [tilespmem:s6], [sflag:$0x7], $0x5000, $0x38;
	[tilespmem:$0x15900] =	vst v63  }
0x212: {  	_ =	swait.ge [sflag:s13], $0x5000  }
0x213: {  	[sflag:s13] =	ssyncset.done $0x0  }
0x214: {  	s31 =	rddreg [dreg:$0x17];
	[sflag:s13] =	ssyncadd.s32 $0xFFFFB000  }
0x215: {  	[hbm4b:s31+s2] =	stream.linear.scatter [tilespmem:s3], [sflag:$0x8], $0x5000, $0x38;
	[tilespmem:$0x15900] =	vst v63  }
0x216: {  	_ =	swait.ge [sflag:s4], $0x5000  }
0x217: {  	[sflag:s4] =	ssyncset.done $0x0  }
0x218: {  	[sflag:s4] =	ssyncadd.s32 $0xFFFFB000  }
0x219: {  	_ =	swait.ge [sflag:s5], $0x5000  }
0x21a: {  	[sflag:s5] =	ssyncset.done $0x0  }
0x21b: {  	[sflag:s5] =	ssyncadd.s32 $0xFFFFB000  }
0x21c: {  	_ =	swait.ge [sflag:s7], $0x5000  }
0x21d: {  	[sflag:s7] =	ssyncset.done $0x0  }
0x21e: {  	[sflag:s7] =	ssyncadd.s32 $0xFFFFB000  }
0x21f: {  	_ =	swait.ge [sflag:s8], $0x5000  }
0x220: {  	[sflag:s8] =	ssyncset.done $0x0  }
0x221: {  	[sflag:s8] =	ssyncadd.s32 $0xFFFFB000  }
0x222: {  	_ =	sfence.sel $0x180000  }
0x223: {  	[bflag:$0x0] =	sbarrier.arrive $0xFFFF  }
0x224: {  	_ =	strace $0x90000047  }
0x225: {  	[bflag:$0x2] =	sbarrier.arrive $0xFFFF  }
0x226: {  	p0 =	sne.s32 s17, $0x0;
	s0 =	rddreg [dreg:$0x2]  }
0x227: {  	s0 =	sadd.s32 @!p0 $0x100000, s0  }
0x228: {  	[sflag:s0] =	ssyncadd.tile.s32 @!p0 $0x1;
	_ =	shalt  }
.LBB2_1:
.Ltmp3:
0x229: {  	(pc) =	sbr.rel .LBB2_6-.Ltmp3, $4  }
0x22a: {  	s18 =	simm.s32 $0x8C0;
	s30 =	simm.s32 $0xA00;
	s29 =	simm.s32 $0xB40  }
0x22b: {  	s28 =	simm.s32 $0xC80;
	s26 =	simm.s32 $0xDC0;
	s25 =	simm.s32 $0xF00  }
0x22c: {  	s24 =	simm.s32 $0x1040;
	s23 =	simm.s32 $0x1180;
	s22 =	simm.s32 $0x12C0  }
0x22d: {  	s21 =	simm.s32 $0x1400;
	s20 =	simm.s32 $0x1540;
	s19 =	simm.s32 $0x1680  }
.LBB2_3:
.Ltmp4:
0x22e: {  	s18 =	simm.s32 $0x8C0;
	(pc) =	sbr.rel .LBB2_6-.Ltmp4, $4  }
0x22f: {  	s30 =	simm.s32 $0xA00;
	s29 =	simm.s32 $0xB40;
	s28 =	simm.s32 $0xC80  }
0x230: {  	s26 =	simm.s32 $0xDC0;
	s25 =	simm.s32 $0xF00;
	s24 =	simm.s32 $0x1040  }
0x231: {  	s23 =	simm.s32 $0x1180;
	s22 =	simm.s32 $0x12C0;
	s21 =	simm.s32 $0x1400  }
0x232: {  	s20 =	simm.s32 $0x1540;
	s19 =	simm.s32 $0x1680;
	s17 =	stileid.u32  }
.Lfunc_end2:
_tile_overlayer_lowered:
.L_overlay_start_2:
0x233: {  	(tag) =	ssettag $0x2  }
0x234: {  	s0 =	rddreg [dreg:$0x0];
	s2 =	stileid.u32  }
0x235: {  	s1 =	rddreg [dreg:$0x1];
	p0 =	sne.s32 s2, $0x0  }
0x236: {  	s3 =	rddreg [dreg:$0x2];
	[bflag:$0x3] =	sbarrier.arrive $0xFFFF;
	s2 =	simm.s32 @!p0 $0x1C09  }
0x237: {  	[timem:s3], [sflag:s2] =	dma.local @!p0 [hbm:s0], s1  }
0x238: {  	s0 =	simm.s32 @!p0 $0x9  }
0x239: {  	_ =	swait.ge @!p0 [sflag:s0], s1  }
0x23a: {  	s1 =	ssub.s32 @!p0 $0x0, s1;
	[sflag:s0] =	ssyncset.done @!p0 $0x0  }
0x23b: {  	[sflag:s0] =	ssyncadd.s32 @!p0 s1  }
0x23c: {  	[bflag:$0x3] =	sbarrier.arrive $0xFFFF  }
0x23d: {  	_ =	shalt  }

</sc_bundles>
